<compile_context>
chip_gen: v7x
topology: tpu7x:2x2x1
jax: 0.10.2.dev20260603
libtpu: 0.0.44.dev20260713+nightly
codegen_flags: <defaults>
</compile_context>

<pallas_src>
import functools

import jax
import jax.numpy as jnp
from jax import lax
from jax.experimental import pallas as pl
from jax.experimental.pallas import tpu as pltpu
from jax.experimental.pallas import tpu_sc as plsc

NUM_SEGMENTS = 16
TOTAL_TOK = 32768
D = 128
LANES = 16
KREG = D // LANES

T_SC = 18432
NWORKERS = 32
ROWS_PER_W = T_SC // NWORKERS
CHUNK = 288
NCHUNK = ROWS_PER_W // CHUNK
BSTEPS = (ROWS_PER_W - 1).bit_length()

T_TC = TOTAL_TOK - T_SC
BLOCK_TOK = 2048
TC_GRID = T_TC // BLOCK_TOK
TC_OFF = T_SC // BLOCK_TOK


def _sc_body(flat_hbm, ids_hbm, psum_hbm,
             ids_v, b_ref, bx_ref, acc_ref, buf, sem0, sem1):
    cid = lax.axis_index("c")
    sid = lax.axis_index("s")
    wid = sid * 2 + cid
    base = wid * ROWS_PER_W

    sems = (sem0, sem1)
    copies = [None, None]
    for c in range(min(2, NCHUNK)):
        copies[c] = pltpu.make_async_copy(
            flat_hbm.at[pl.ds(base + c * CHUNK, CHUNK)], buf.at[c], sems[c])
        copies[c].start()

    pltpu.sync_copy(ids_hbm.at[pl.ds(base, ROWS_PER_W)], ids_v)

    def z_body(s, _):
        for k in range(KREG):
            acc_ref[s, pl.ds(LANES * k, LANES)] = jnp.zeros((LANES,), jnp.float32)
        return 0

    lax.fori_loop(0, NUM_SEGMENTS + 1, z_body, 0)

    lane = lax.iota(jnp.int32, LANES)

    def step(t, lohi):
        lo, hi = lohi
        mid = (lo + hi) >> 1
        vals = plsc.load_gather(ids_v, [mid])
        pred = vals < lane
        return (jnp.where(pred, mid + 1, lo), jnp.where(pred, hi, mid))

    b_v, _ = lax.fori_loop(
        0, BSTEPS, step,
        (jnp.zeros((LANES,), jnp.int32),
         jnp.full((LANES,), ROWS_PER_W, jnp.int32)))

    bx_ref[pl.ds(0, LANES)] = b_v
    bx_ref[pl.ds(LANES, LANES)] = jnp.full((LANES,), ROWS_PER_W, jnp.int32)
    b_next = plsc.load_gather(bx_ref, [lane + 1])
    acc_ref[NUM_SEGMENTS, pl.ds(0, LANES)] = (b_next - b_v).astype(jnp.float32)

    for s in range(NUM_SEGMENTS):
        b_ref[s] = b_v[s]
    b_ref[NUM_SEGMENTS] = jnp.int32(ROWS_PER_W)

    for c in range(NCHUNK):
        cb = c & 1
        copies[cb].wait()

        def seg_body(s, _):
            lo = jnp.maximum(b_ref[s], c * CHUNK)
            hi = jnp.minimum(b_ref[s + 1], (c + 1) * CHUNK)

            def row_body(i, vs):
                r = i - c * CHUNK
                return tuple(
                    vs[k] + buf[cb, r, pl.ds(LANES * k, LANES)]
                    for k in range(KREG))

            vs = lax.fori_loop(
                lo, hi, row_body,
                tuple(jnp.zeros((LANES,), jnp.float32) for _ in range(KREG)))

            @pl.when(hi > lo)
            def _flush():
                for k in range(KREG):
                    acc_ref[s, pl.ds(LANES * k, LANES)] += vs[k]

            return 0

        lax.fori_loop(0, NUM_SEGMENTS, seg_body, 0)

        if c + 2 < NCHUNK:
            copies[cb] = pltpu.make_async_copy(
                flat_hbm.at[pl.ds(base + (c + 2) * CHUNK, CHUNK)], buf.at[cb],
                sems[cb])
            copies[cb].start()

    pltpu.sync_copy(acc_ref, psum_hbm.at[wid])


_sc_call = functools.partial(
    pl.kernel,
    out_type=jax.ShapeDtypeStruct((NWORKERS, NUM_SEGMENTS + 1, D), jnp.float32),
    mesh=plsc.VectorSubcoreMesh(core_axis_name="c", subcore_axis_name="s"),
    compiler_params=pltpu.CompilerParams(needs_layout_passes=False),
    scratch_types=[
        pltpu.VMEM((ROWS_PER_W,), jnp.int32),
        pltpu.SMEM((NUM_SEGMENTS + 1,), jnp.int32),
        pltpu.VMEM((2 * LANES,), jnp.int32),
        pltpu.VMEM((NUM_SEGMENTS + 1, D), jnp.float32),
        pltpu.VMEM((2, CHUNK, D), jnp.float32),
        pltpu.SemaphoreType.DMA,
        pltpu.SemaphoreType.DMA,
    ],
)


def _tc_body(ids_ref, flat_ref, psum_ref, pcnt_ref, acc_sum, acc_cnt):
    i = pl.program_id(0)

    @pl.when(i == 0)
    def _zero():
        acc_sum[...] = jnp.zeros_like(acc_sum)
        acc_cnt[...] = jnp.zeros_like(acc_cnt)

    ids = ids_ref[0, 0, :]
    seg_iota = jax.lax.broadcasted_iota(jnp.int32, (BLOCK_TOK, NUM_SEGMENTS), 1)
    onehot = (ids[:, None] == seg_iota).astype(jnp.float32)
    acc_sum[...] += jax.lax.dot_general(
        onehot, flat_ref[...],
        dimension_numbers=(((0,), (0,)), ((), ())),
        preferred_element_type=jnp.float32,
    )
    pcnt = jnp.sum(onehot, axis=0)
    acc_cnt[...] += jnp.broadcast_to(pcnt[:, None], (NUM_SEGMENTS, D))

    @pl.when(i == TC_GRID - 1)
    def _finish():
        psum_ref[...] = acc_sum[...]
        pcnt_ref[...] = acc_cnt[...]


def _combine_body(ps_ref, tps_ref, tpc_ref, out_ref):
    acc = jnp.sum(ps_ref[...], axis=0)
    sums = acc[:NUM_SEGMENTS, :] + tps_ref[...]
    cnts = acc[NUM_SEGMENTS, :NUM_SEGMENTS][:, None] + tpc_ref[...]
    out_ref[...] = sums / jnp.maximum(cnts, 1.0)


def kernel(flat, segment_ids):
    ids32 = segment_ids.astype(jnp.int32)
    psum = _sc_call(_sc_body)(flat, ids32)
    ids3 = ids32.reshape(TOTAL_TOK // BLOCK_TOK, 1, BLOCK_TOK)
    flat = pltpu.with_memory_space_constraint(flat, pltpu.MemorySpace.HBM)
    ids3 = pltpu.with_memory_space_constraint(ids3, pltpu.MemorySpace.HBM)
    tpsum, tpcnt = pl.pallas_call(
        _tc_body,
        grid=(TC_GRID,),
        in_specs=[
            pl.BlockSpec((1, 1, BLOCK_TOK), lambda i: (TC_OFF + i, 0, 0)),
            pl.BlockSpec((BLOCK_TOK, D), lambda i: (TC_OFF + i, 0)),
        ],
        out_specs=[
            pl.BlockSpec((NUM_SEGMENTS, D), lambda i: (0, 0)),
            pl.BlockSpec((NUM_SEGMENTS, D), lambda i: (0, 0)),
        ],
        out_shape=[
            jax.ShapeDtypeStruct((NUM_SEGMENTS, D), jnp.float32),
            jax.ShapeDtypeStruct((NUM_SEGMENTS, D), jnp.float32),
        ],
        scratch_shapes=[
            pltpu.VMEM((NUM_SEGMENTS, D), jnp.float32),
            pltpu.VMEM((NUM_SEGMENTS, D), jnp.float32),
        ],
    )(ids3, flat)
    return pl.pallas_call(
        _combine_body,
        out_shape=jax.ShapeDtypeStruct((NUM_SEGMENTS, D), jnp.float32),
    )(psum, tpsum, tpcnt)

# --- scband reference (transcript-rebuilt; emitter-appended) ---
"""Pipeline reference for scband-embedding-mean-11879879541813 (READ-ONLY COPY).

The authoritative reference and input builder live on the scoring server;
editing this copy changes nothing except your own understanding.
"""

import jax, jax.numpy as jnp
import numpy as np

NUM_SEGMENTS = 16
TOTAL_TOK = 32768
D = 128

def setup_inputs(seed: int = 0) -> dict:
    key = jax.random.key(seed)
    k1, k2 = jax.random.split(key)
    flat = jax.random.normal(k1, (TOTAL_TOK, D), dtype=jnp.float32)
    segment_ids = jnp.sort(jax.random.randint(k2, (TOTAL_TOK,), 0, NUM_SEGMENTS)).astype(jnp.int64)
    return {"flat": flat, "segment_ids": segment_ids}

def reference(flat, segment_ids):
    # tf.reduce_mean(ragged, axis=1) == per-segment mean over the ragged token axis
    sums = jax.ops.segment_sum(flat, segment_ids, num_segments=NUM_SEGMENTS)
    counts = jnp.bincount(segment_ids, length=NUM_SEGMENTS).astype(flat.dtype)
    counts = jnp.maximum(counts, 1.0)  # guard empty rows (tf yields NaN; we guard for stability)
    return sums / counts[:, None]

if __name__ == "__main__":
    import jax
    _d = setup_inputs()
    print(jax.jit(kernel)(*tuple(_d.values())))

</pallas_src>

<mosaic_0001>
#map = affine_map<(d0, d1) -> (0, 0)>
#map1 = affine_map<(d0, d1) -> (0)>
#map2 = affine_map<(d0, d1) -> (0, 0, 0)>
module attributes {stable_mosaic.version = 14 : i64} {
  func.func @_sc_body(%arg0: i32, %arg1: i32, %arg2: memref<32768x128xf32, #tpu.memory_space<hbm>>, %arg3: memref<32768xi32, #tpu.memory_space<hbm>>, %arg4: memref<32x17x128xf32, #tpu.memory_space<hbm>>, %arg5: memref<576xi32, #tpu.memory_space<vmem>>, %arg6: memref<17xi32, #tpu.memory_space<smem>>, %arg7: memref<32xi32, #tpu.memory_space<vmem>>, %arg8: memref<17x128xf32, #tpu.memory_space<vmem>>, %arg9: memref<2x288x128xf32, #tpu.memory_space<vmem>>, %arg10: memref<!tpu.dma_semaphore, #tpu.memory_space<semaphore_mem>>, %arg11: memref<!tpu.dma_semaphore, #tpu.memory_space<semaphore_mem>>) attributes {dimension_semantics = [#tpu.dimension_semantics<core_parallel>, #tpu.dimension_semantics<subcore_parallel>], iteration_bounds = array<i64: 2, 16>, scalar_prefetch = 0 : i64, scratch_operands = 7 : i64, tpu.core_type = #tpu.core_type<sc_vector_subcore>, window_params = [{transform_indices = #map}, {transform_indices = #map1}, {transform_indices = #map2}]} {
    %mul3A = arith.constant 2 : i32
    %mul3A_0 = arith.muli %arg1, %mul3A : i32
    %add3A = arith.addi %mul3A_0, %arg0 : i32
    %mul3A_1 = arith.constant 576 : i32
    %mul3A_2 = arith.muli %add3A, %mul3A_1 : i32
    %add3A_3 = arith.constant 0 : i32
    %add3A_4 = arith.addi %mul3A_2, %add3A_3 : i32
    %dma_start3A = arith.constant 0 : i32
    %dma_start3A_5 = arith.constant 0 : i32
    %dma_start3A_6 = arith.constant 0 : i32
    %dma_start3A_7 = tpu.memref_slice %arg9[%dma_start3A, %dma_start3A_5, %dma_start3A_6] : memref<2x288x128xf32, #tpu.memory_space<vmem>> -> memref<1x288x128xf32, #tpu.memory_space<vmem>>
    %dma_start3A_8 = tpu.memref_squeeze %dma_start3A_7 : memref<1x288x128xf32, #tpu.memory_space<vmem>> -> memref<288x128xf32, #tpu.memory_space<vmem>>
    %dma_start3A_9 = arith.constant 0 : i32
    %dma_start3A_10 = tpu.memref_slice %arg2[%add3A_4, %dma_start3A_9] : memref<32768x128xf32, #tpu.memory_space<hbm>> -> memref<288x128xf32, #tpu.memory_space<hbm>>
    %dma_start3A_11 = arith.constant 0 : i32
    %dma_start3A_12 = arith.constant 0 : i32
    %dma_start3A_13 = tpu.memref_slice %arg9[%dma_start3A, %dma_start3A_11, %dma_start3A_12] : memref<2x288x128xf32, #tpu.memory_space<vmem>> -> memref<1x288x128xf32, #tpu.memory_space<vmem>>
    %dma_start3A_14 = tpu.memref_squeeze %dma_start3A_13 : memref<1x288x128xf32, #tpu.memory_space<vmem>> -> memref<288x128xf32, #tpu.memory_space<vmem>>
    %dma_start3A_15 = arith.constant 0 : i32
    %dma_start3A_16 = tpu.memref_slice %arg2[%add3A_4, %dma_start3A_15] : memref<32768x128xf32, #tpu.memory_space<hbm>> -> memref<288x128xf32, #tpu.memory_space<hbm>>
    tpu.enqueue_dma source(%dma_start3A_16 : memref<288x128xf32, #tpu.memory_space<hbm>>) target(%dma_start3A_14 : memref<288x128xf32, #tpu.memory_space<vmem>>) target_semaphore(%arg10 : memref<!tpu.dma_semaphore, #tpu.memory_space<semaphore_mem>>)
    %add3A_17 = arith.constant 288 : i32
    %add3A_18 = arith.addi %mul3A_2, %add3A_17 : i32
    %dma_start3A_19 = arith.constant 1 : i32
    %dma_start3A_20 = arith.constant 0 : i32
    %dma_start3A_21 = arith.constant 0 : i32
    %dma_start3A_22 = tpu.memref_slice %arg9[%dma_start3A_19, %dma_start3A_20, %dma_start3A_21] : memref<2x288x128xf32, #tpu.memory_space<vmem>> -> memref<1x288x128xf32, #tpu.memory_space<vmem>>
    %dma_start3A_23 = tpu.memref_squeeze %dma_start3A_22 : memref<1x288x128xf32, #tpu.memory_space<vmem>> -> memref<288x128xf32, #tpu.memory_space<vmem>>
    %dma_start3A_24 = arith.constant 0 : i32
    %dma_start3A_25 = tpu.memref_slice %arg2[%add3A_18, %dma_start3A_24] : memref<32768x128xf32, #tpu.memory_space<hbm>> -> memref<288x128xf32, #tpu.memory_space<hbm>>
    %dma_start3A_26 = arith.constant 0 : i32
    %dma_start3A_27 = arith.constant 0 : i32
    %dma_start3A_28 = tpu.memref_slice %arg9[%dma_start3A_19, %dma_start3A_26, %dma_start3A_27] : memref<2x288x128xf32, #tpu.memory_space<vmem>> -> memref<1x288x128xf32, #tpu.memory_space<vmem>>
    %dma_start3A_29 = tpu.memref_squeeze %dma_start3A_28 : memref<1x288x128xf32, #tpu.memory_space<vmem>> -> memref<288x128xf32, #tpu.memory_space<vmem>>
    %dma_start3A_30 = arith.constant 0 : i32
    %dma_start3A_31 = tpu.memref_slice %arg2[%add3A_18, %dma_start3A_30] : memref<32768x128xf32, #tpu.memory_space<hbm>> -> memref<288x128xf32, #tpu.memory_space<hbm>>
    tpu.enqueue_dma source(%dma_start3A_31 : memref<288x128xf32, #tpu.memory_space<hbm>>) target(%dma_start3A_29 : memref<288x128xf32, #tpu.memory_space<vmem>>) target_semaphore(%arg11 : memref<!tpu.dma_semaphore, #tpu.memory_space<semaphore_mem>>)
    "tpu.region"() ({
      %run_scoped3A = tpu.sem_alloc : memref<!tpu.dma_semaphore, #tpu.memory_space<semaphore_mem>>
      %dma_start3A_180 = tpu.memref_slice %arg3[%mul3A_2] : memref<32768xi32, #tpu.memory_space<hbm>> -> memref<576xi32, #tpu.memory_space<hbm>>
      %dma_start3A_181 = tpu.memref_slice %arg3[%mul3A_2] : memref<32768xi32, #tpu.memory_space<hbm>> -> memref<576xi32, #tpu.memory_space<hbm>>
      tpu.enqueue_dma source(%dma_start3A_181 : memref<576xi32, #tpu.memory_space<hbm>>) target(%arg5 : memref<576xi32, #tpu.memory_space<vmem>>) target_semaphore(%run_scoped3A : memref<!tpu.dma_semaphore, #tpu.memory_space<semaphore_mem>>)
      %dma_wait3A_182 = tpu.memref_slice %arg3[%mul3A_2] : memref<32768xi32, #tpu.memory_space<hbm>> -> memref<576xi32, #tpu.memory_space<hbm>>
      %dma_wait3A_183 = tpu.memref_slice %arg3[%mul3A_2] : memref<32768xi32, #tpu.memory_space<hbm>> -> memref<576xi32, #tpu.memory_space<hbm>>
      tpu.wait_dma2 semaphore(%run_scoped3A : memref<!tpu.dma_semaphore, #tpu.memory_space<semaphore_mem>>) src(%dma_wait3A_183 : memref<576xi32, #tpu.memory_space<hbm>>) dst(%arg5 : memref<576xi32, #tpu.memory_space<vmem>>)
      tpu.yield
    }) : () -> ()
    %scan3A = arith.constant 0 : i32
    %scan3A_32 = arith.constant 0 : i32
    %scan3A_33 = arith.constant 17 : i32
    %scan3A_34 = arith.addi %scan3A_32, %scan3A_33 : i32
    %scan3A_35 = arith.constant 1 : i32
    %scan3A_36 = scf.for %scan3A_180 = %scan3A_32 to %scan3A_34 step %scan3A_35 iter_args(%scan3A_181 = %scan3A) -> (i32)  : i32 {
      %broadcast_in_dim3A_182 = arith.constant 0.000000e+00 : f32
      %broadcast_in_dim3A_183 = vector.broadcast %broadcast_in_dim3A_182 : f32 to vector<16xf32>
      %swap3A_184 = arith.index_cast %scan3A_180 : i32 to index
      %swap3A_185 = arith.constant 0 : index
      %swap3A_186 = tpu.vector_load %arg8[%swap3A_184, %swap3A_185] {strides = array<i32>} : memref<17x128xf32, #tpu.memory_space<vmem>>, vector<16xf32>,
      tpu.vector_store %arg8[%swap3A_184, %swap3A_185], %broadcast_in_dim3A_183 {strides = array<i32>} : memref<17x128xf32, #tpu.memory_space<vmem>>, vector<16xf32>,
      %broadcast_in_dim3A_187 = arith.constant 0.000000e+00 : f32
      %broadcast_in_dim3A_188 = vector.broadcast %broadcast_in_dim3A_187 : f32 to vector<16xf32>
      %swap3A_189 = arith.index_cast %scan3A_180 : i32 to index
      %swap3A_190 = arith.constant 16 : index
      %swap3A_191 = tpu.vector_load %arg8[%swap3A_189, %swap3A_190] {strides = array<i32>} : memref<17x128xf32, #tpu.memory_space<vmem>>, vector<16xf32>,
      tpu.vector_store %arg8[%swap3A_189, %swap3A_190], %broadcast_in_dim3A_188 {strides = array<i32>} : memref<17x128xf32, #tpu.memory_space<vmem>>, vector<16xf32>,
      %broadcast_in_dim3A_192 = arith.constant 0.000000e+00 : f32
      %broadcast_in_dim3A_193 = vector.broadcast %broadcast_in_dim3A_192 : f32 to vector<16xf32>
      %swap3A_194 = arith.index_cast %scan3A_180 : i32 to index
      %swap3A_195 = arith.constant 32 : index
      %swap3A_196 = tpu.vector_load %arg8[%swap3A_194, %swap3A_195] {strides = array<i32>} : memref<17x128xf32, #tpu.memory_space<vmem>>, vector<16xf32>,
      tpu.vector_store %arg8[%swap3A_194, %swap3A_195], %broadcast_in_dim3A_193 {strides = array<i32>} : memref<17x128xf32, #tpu.memory_space<vmem>>, vector<16xf32>,
      %broadcast_in_dim3A_197 = arith.constant 0.000000e+00 : f32
      %broadcast_in_dim3A_198 = vector.broadcast %broadcast_in_dim3A_197 : f32 to vector<16xf32>
      %swap3A_199 = arith.index_cast %scan3A_180 : i32 to index
      %swap3A_200 = arith.constant 48 : index
      %swap3A_201 = tpu.vector_load %arg8[%swap3A_199, %swap3A_200] {strides = array<i32>} : memref<17x128xf32, #tpu.memory_space<vmem>>, vector<16xf32>,
      tpu.vector_store %arg8[%swap3A_199, %swap3A_200], %broadcast_in_dim3A_198 {strides = array<i32>} : memref<17x128xf32, #tpu.memory_space<vmem>>, vector<16xf32>,
      %broadcast_in_dim3A_202 = arith.constant 0.000000e+00 : f32
      %broadcast_in_dim3A_203 = vector.broadcast %broadcast_in_dim3A_202 : f32 to vector<16xf32>
      %swap3A_204 = arith.index_cast %scan3A_180 : i32 to index
      %swap3A_205 = arith.constant 64 : index
      %swap3A_206 = tpu.vector_load %arg8[%swap3A_204, %swap3A_205] {strides = array<i32>} : memref<17x128xf32, #tpu.memory_space<vmem>>, vector<16xf32>,
      tpu.vector_store %arg8[%swap3A_204, %swap3A_205], %broadcast_in_dim3A_203 {strides = array<i32>} : memref<17x128xf32, #tpu.memory_space<vmem>>, vector<16xf32>,
      %broadcast_in_dim3A_207 = arith.constant 0.000000e+00 : f32
      %broadcast_in_dim3A_208 = vector.broadcast %broadcast_in_dim3A_207 : f32 to vector<16xf32>
      %swap3A_209 = arith.index_cast %scan3A_180 : i32 to index
      %swap3A_210 = arith.constant 80 : index
      %swap3A_211 = tpu.vector_load %arg8[%swap3A_209, %swap3A_210] {strides = array<i32>} : memref<17x128xf32, #tpu.memory_space<vmem>>, vector<16xf32>,
      tpu.vector_store %arg8[%swap3A_209, %swap3A_210], %broadcast_in_dim3A_208 {strides = array<i32>} : memref<17x128xf32, #tpu.memory_space<vmem>>, vector<16xf32>,
      %broadcast_in_dim3A_212 = arith.constant 0.000000e+00 : f32
      %broadcast_in_dim3A_213 = vector.broadcast %broadcast_in_dim3A_212 : f32 to vector<16xf32>
      %swap3A_214 = arith.index_cast %scan3A_180 : i32 to index
      %swap3A_215 = arith.constant 96 : index
      %swap3A_216 = tpu.vector_load %arg8[%swap3A_214, %swap3A_215] {strides = array<i32>} : memref<17x128xf32, #tpu.memory_space<vmem>>, vector<16xf32>,
      tpu.vector_store %arg8[%swap3A_214, %swap3A_215], %broadcast_in_dim3A_213 {strides = array<i32>} : memref<17x128xf32, #tpu.memory_space<vmem>>, vector<16xf32>,
      %broadcast_in_dim3A_217 = arith.constant 0.000000e+00 : f32
      %broadcast_in_dim3A_218 = vector.broadcast %broadcast_in_dim3A_217 : f32 to vector<16xf32>
      %swap3A_219 = arith.index_cast %scan3A_180 : i32 to index
      %swap3A_220 = arith.constant 112 : index
      %swap3A_221 = tpu.vector_load %arg8[%swap3A_219, %swap3A_220] {strides = array<i32>} : memref<17x128xf32, #tpu.memory_space<vmem>>, vector<16xf32>,
      tpu.vector_store %arg8[%swap3A_219, %swap3A_220], %broadcast_in_dim3A_218 {strides = array<i32>} : memref<17x128xf32, #tpu.memory_space<vmem>>, vector<16xf32>,
      %scan3A_222 = arith.constant 0 : i32
      scf.yield %scan3A_222 : i32
    }
    %scan3A_37 = arith.constant 17 : i32
    %iota3A = tpu.iota {dimensions = array<i32: 0>} : vector<16xi32>
    %broadcast_in_dim3A = arith.constant 0 : i32
    %broadcast_in_dim3A_38 = vector.broadcast %broadcast_in_dim3A : i32 to vector<16xi32>
    %broadcast_in_dim3A_39 = arith.constant 576 : i32
    %broadcast_in_dim3A_40 = vector.broadcast %broadcast_in_dim3A_39 : i32 to vector<16xi32>
    %scan3A_41 = arith.constant 0 : i32
    %scan3A_42 = arith.constant 10 : i32
    %scan3A_43 = arith.addi %scan3A_41, %scan3A_42 : i32
    %scan3A_44 = arith.constant 1 : i32
    %scan3A_45:2 = scf.for %scan3A_180 = %scan3A_41 to %scan3A_43 step %scan3A_44 iter_args(%scan3A_181 = %broadcast_in_dim3A_38, %scan3A_182 = %broadcast_in_dim3A_40) -> (vector<16xi32>, vector<16xi32>)  : i32 {
      %add3A_183 = arith.addi %scan3A_181, %scan3A_182 : vector<16xi32>
      %shift_right_arithmetic3A = arith.constant 1 : i32
      %shift_right_arithmetic3A_184 = vector.broadcast %shift_right_arithmetic3A : i32 to vector<16xi32>
      %shift_right_arithmetic3A_185 = arith.shrsi %add3A_183, %shift_right_arithmetic3A_184 : vector<16xi32>
      %gather3A_186 = tpu.vector_load_idx %arg5[%shift_right_arithmetic3A_185] : memref<576xi32, #tpu.memory_space<vmem>>[vector<16xi32>], vector<16xi32>,
      %lt3A = arith.cmpi slt, %gather3A_186, %iota3A : vector<16xi32>
      %add3A_187 = arith.constant 1 : i32
      %add3A_188 = vector.broadcast %add3A_187 : i32 to vector<16xi32>
      %add3A_189 = arith.addi %shift_right_arithmetic3A_185, %add3A_188 : vector<16xi32>
      %select_n3A = arith.select %lt3A, %add3A_189, %scan3A_181 : vector<16xi1>, vector<16xi32>
      %select_n3A_190 = arith.select %lt3A, %scan3A_182, %shift_right_arithmetic3A_185 : vector<16xi1>, vector<16xi32>
      scf.yield %select_n3A, %select_n3A_190 : vector<16xi32>, vector<16xi32>
    }
    %scan3A_46 = arith.constant 10 : i32
    %swap3A = arith.constant 0 : index
    %swap3A_47 = tpu.vector_load %arg7[%swap3A] {strides = array<i32>} : memref<32xi32, #tpu.memory_space<vmem>>, vector<16xi32>,
    tpu.vector_store %arg7[%swap3A], %scan3A_45#0 {strides = array<i32>} : memref<32xi32, #tpu.memory_space<vmem>>, vector<16xi32>,
    %broadcast_in_dim3A_48 = arith.constant 576 : i32
    %broadcast_in_dim3A_49 = vector.broadcast %broadcast_in_dim3A_48 : i32 to vector<16xi32>
    %swap3A_50 = arith.constant 16 : index
    %swap3A_51 = tpu.vector_load %arg7[%swap3A_50] {strides = array<i32>} : memref<32xi32, #tpu.memory_space<vmem>>, vector<16xi32>,
    tpu.vector_store %arg7[%swap3A_50], %broadcast_in_dim3A_49 {strides = array<i32>} : memref<32xi32, #tpu.memory_space<vmem>>, vector<16xi32>,
    %add3A_52 = arith.constant 1 : i32
    %add3A_53 = vector.broadcast %add3A_52 : i32 to vector<16xi32>
    %add3A_54 = arith.addi %iota3A, %add3A_53 : vector<16xi32>
    %gather3A = tpu.vector_load_idx %arg7[%add3A_54] : memref<32xi32, #tpu.memory_space<vmem>>[vector<16xi32>], vector<16xi32>,
    %sub3A = arith.subi %gather3A, %scan3A_45#0 : vector<16xi32>
    %convert_element_type3A = arith.sitofp %sub3A : vector<16xi32> to vector<16xf32>
    %swap3A_55 = arith.constant 16 : i32
    %swap3A_56 = arith.index_cast %swap3A_55 : i32 to index
    %swap3A_57 = arith.constant 0 : index
    %swap3A_58 = tpu.vector_load %arg8[%swap3A_56, %swap3A_57] {strides = array<i32>} : memref<17x128xf32, #tpu.memory_space<vmem>>, vector<16xf32>,
    tpu.vector_store %arg8[%swap3A_56, %swap3A_57], %convert_element_type3A {strides = array<i32>} : memref<17x128xf32, #tpu.memory_space<vmem>>, vector<16xf32>,
    %slice3A = vector.extract_strided_slice %scan3A_45#0 {offsets = [0], sizes = [1], strides = [1]} : vector<16xi32> to vector<1xi32>
    %squeeze3A = vector.extract %slice3A[0] : i32 from vector<1xi32>
    %swap3A_59 = arith.constant 0 : i32
    %swap3A_60 = arith.index_cast %swap3A_59 : i32 to index
    %swap3A_61 = memref.load %arg6[%swap3A_60] : memref<17xi32, #tpu.memory_space<smem>>
    memref.store %squeeze3A, %arg6[%swap3A_60] : memref<17xi32, #tpu.memory_space<smem>>
    %slice3A_62 = vector.extract_strided_slice %scan3A_45#0 {offsets = [1], sizes = [1], strides = [1]} : vector<16xi32> to vector<1xi32>
    %squeeze3A_63 = vector.extract %slice3A_62[0] : i32 from vector<1xi32>
    %swap3A_64 = arith.constant 1 : i32
    %swap3A_65 = arith.index_cast %swap3A_64 : i32 to index
    %swap3A_66 = memref.load %arg6[%swap3A_65] : memref<17xi32, #tpu.memory_space<smem>>
    memref.store %squeeze3A_63, %arg6[%swap3A_65] : memref<17xi32, #tpu.memory_space<smem>>
    %slice3A_67 = vector.extract_strided_slice %scan3A_45#0 {offsets = [2], sizes = [1], strides = [1]} : vector<16xi32> to vector<1xi32>
    %squeeze3A_68 = vector.extract %slice3A_67[0] : i32 from vector<1xi32>
    %swap3A_69 = arith.constant 2 : i32
    %swap3A_70 = arith.index_cast %swap3A_69 : i32 to index
    %swap3A_71 = memref.load %arg6[%swap3A_70] : memref<17xi32, #tpu.memory_space<smem>>
    memref.store %squeeze3A_68, %arg6[%swap3A_70] : memref<17xi32, #tpu.memory_space<smem>>
    %slice3A_72 = vector.extract_strided_slice %scan3A_45#0 {offsets = [3], sizes = [1], strides = [1]} : vector<16xi32> to vector<1xi32>
    %squeeze3A_73 = vector.extract %slice3A_72[0] : i32 from vector<1xi32>
    %swap3A_74 = arith.constant 3 : i32
    %swap3A_75 = arith.index_cast %swap3A_74 : i32 to index
    %swap3A_76 = memref.load %arg6[%swap3A_75] : memref<17xi32, #tpu.memory_space<smem>>
    memref.store %squeeze3A_73, %arg6[%swap3A_75] : memref<17xi32, #tpu.memory_space<smem>>
    %slice3A_77 = vector.extract_strided_slice %scan3A_45#0 {offsets = [4], sizes = [1], strides = [1]} : vector<16xi32> to vector<1xi32>
    %squeeze3A_78 = vector.extract %slice3A_77[0] : i32 from vector<1xi32>
    %swap3A_79 = arith.constant 4 : i32
    %swap3A_80 = arith.index_cast %swap3A_79 : i32 to index
    %swap3A_81 = memref.load %arg6[%swap3A_80] : memref<17xi32, #tpu.memory_space<smem>>
    memref.store %squeeze3A_78, %arg6[%swap3A_80] : memref<17xi32, #tpu.memory_space<smem>>
    %slice3A_82 = vector.extract_strided_slice %scan3A_45#0 {offsets = [5], sizes = [1], strides = [1]} : vector<16xi32> to vector<1xi32>
    %squeeze3A_83 = vector.extract %slice3A_82[0] : i32 from vector<1xi32>
    %swap3A_84 = arith.constant 5 : i32
    %swap3A_85 = arith.index_cast %swap3A_84 : i32 to index
    %swap3A_86 = memref.load %arg6[%swap3A_85] : memref<17xi32, #tpu.memory_space<smem>>
    memref.store %squeeze3A_83, %arg6[%swap3A_85] : memref<17xi32, #tpu.memory_space<smem>>
    %slice3A_87 = vector.extract_strided_slice %scan3A_45#0 {offsets = [6], sizes = [1], strides = [1]} : vector<16xi32> to vector<1xi32>
    %squeeze3A_88 = vector.extract %slice3A_87[0] : i32 from vector<1xi32>
    %swap3A_89 = arith.constant 6 : i32
    %swap3A_90 = arith.index_cast %swap3A_89 : i32 to index
    %swap3A_91 = memref.load %arg6[%swap3A_90] : memref<17xi32, #tpu.memory_space<smem>>
    memref.store %squeeze3A_88, %arg6[%swap3A_90] : memref<17xi32, #tpu.memory_space<smem>>
    %slice3A_92 = vector.extract_strided_slice %scan3A_45#0 {offsets = [7], sizes = [1], strides = [1]} : vector<16xi32> to vector<1xi32>
    %squeeze3A_93 = vector.extract %slice3A_92[0] : i32 from vector<1xi32>
    %swap3A_94 = arith.constant 7 : i32
    %swap3A_95 = arith.index_cast %swap3A_94 : i32 to index
    %swap3A_96 = memref.load %arg6[%swap3A_95] : memref<17xi32, #tpu.memory_space<smem>>
    memref.store %squeeze3A_93, %arg6[%swap3A_95] : memref<17xi32, #tpu.memory_space<smem>>
    %slice3A_97 = vector.extract_strided_slice %scan3A_45#0 {offsets = [8], sizes = [1], strides = [1]} : vector<16xi32> to vector<1xi32>
    %squeeze3A_98 = vector.extract %slice3A_97[0] : i32 from vector<1xi32>
    %swap3A_99 = arith.constant 8 : i32
    %swap3A_100 = arith.index_cast %swap3A_99 : i32 to index
    %swap3A_101 = memref.load %arg6[%swap3A_100] : memref<17xi32, #tpu.memory_space<smem>>
    memref.store %squeeze3A_98, %arg6[%swap3A_100] : memref<17xi32, #tpu.memory_space<smem>>
    %slice3A_102 = vector.extract_strided_slice %scan3A_45#0 {offsets = [9], sizes = [1], strides = [1]} : vector<16xi32> to vector<1xi32>
    %squeeze3A_103 = vector.extract %slice3A_102[0] : i32 from vector<1xi32>
    %swap3A_104 = arith.constant 9 : i32
    %swap3A_105 = arith.index_cast %swap3A_104 : i32 to index
    %swap3A_106 = memref.load %arg6[%swap3A_105] : memref<17xi32, #tpu.memory_space<smem>>
    memref.store %squeeze3A_103, %arg6[%swap3A_105] : memref<17xi32, #tpu.memory_space<smem>>
    %slice3A_107 = vector.extract_strided_slice %scan3A_45#0 {offsets = [10], sizes = [1], strides = [1]} : vector<16xi32> to vector<1xi32>
    %squeeze3A_108 = vector.extract %slice3A_107[0] : i32 from vector<1xi32>
    %swap3A_109 = arith.constant 10 : i32
    %swap3A_110 = arith.index_cast %swap3A_109 : i32 to index
    %swap3A_111 = memref.load %arg6[%swap3A_110] : memref<17xi32, #tpu.memory_space<smem>>
    memref.store %squeeze3A_108, %arg6[%swap3A_110] : memref<17xi32, #tpu.memory_space<smem>>
    %slice3A_112 = vector.extract_strided_slice %scan3A_45#0 {offsets = [11], sizes = [1], strides = [1]} : vector<16xi32> to vector<1xi32>
    %squeeze3A_113 = vector.extract %slice3A_112[0] : i32 from vector<1xi32>
    %swap3A_114 = arith.constant 11 : i32
    %swap3A_115 = arith.index_cast %swap3A_114 : i32 to index
    %swap3A_116 = memref.load %arg6[%swap3A_115] : memref<17xi32, #tpu.memory_space<smem>>
    memref.store %squeeze3A_113, %arg6[%swap3A_115] : memref<17xi32, #tpu.memory_space<smem>>
    %slice3A_117 = vector.extract_strided_slice %scan3A_45#0 {offsets = [12], sizes = [1], strides = [1]} : vector<16xi32> to vector<1xi32>
    %squeeze3A_118 = vector.extract %slice3A_117[0] : i32 from vector<1xi32>
    %swap3A_119 = arith.constant 12 : i32
    %swap3A_120 = arith.index_cast %swap3A_119 : i32 to index
    %swap3A_121 = memref.load %arg6[%swap3A_120] : memref<17xi32, #tpu.memory_space<smem>>
    memref.store %squeeze3A_118, %arg6[%swap3A_120] : memref<17xi32, #tpu.memory_space<smem>>
    %slice3A_122 = vector.extract_strided_slice %scan3A_45#0 {offsets = [13], sizes = [1], strides = [1]} : vector<16xi32> to vector<1xi32>
    %squeeze3A_123 = vector.extract %slice3A_122[0] : i32 from vector<1xi32>
    %swap3A_124 = arith.constant 13 : i32
    %swap3A_125 = arith.index_cast %swap3A_124 : i32 to index
    %swap3A_126 = memref.load %arg6[%swap3A_125] : memref<17xi32, #tpu.memory_space<smem>>
    memref.store %squeeze3A_123, %arg6[%swap3A_125] : memref<17xi32, #tpu.memory_space<smem>>
    %slice3A_127 = vector.extract_strided_slice %scan3A_45#0 {offsets = [14], sizes = [1], strides = [1]} : vector<16xi32> to vector<1xi32>
    %squeeze3A_128 = vector.extract %slice3A_127[0] : i32 from vector<1xi32>
    %swap3A_129 = arith.constant 14 : i32
    %swap3A_130 = arith.index_cast %swap3A_129 : i32 to index
    %swap3A_131 = memref.load %arg6[%swap3A_130] : memref<17xi32, #tpu.memory_space<smem>>
    memref.store %squeeze3A_128, %arg6[%swap3A_130] : memref<17xi32, #tpu.memory_space<smem>>
    %slice3A_132 = vector.extract_strided_slice %scan3A_45#0 {offsets = [15], sizes = [1], strides = [1]} : vector<16xi32> to vector<1xi32>
    %squeeze3A_133 = vector.extract %slice3A_132[0] : i32 from vector<1xi32>
    %swap3A_134 = arith.constant 15 : i32
    %swap3A_135 = arith.index_cast %swap3A_134 : i32 to index
    %swap3A_136 = memref.load %arg6[%swap3A_135] : memref<17xi32, #tpu.memory_space<smem>>
    memref.store %squeeze3A_133, %arg6[%swap3A_135] : memref<17xi32, #tpu.memory_space<smem>>
    %swap3A_137 = arith.constant 576 : i32
    %swap3A_138 = arith.constant 16 : i32
    %swap3A_139 = arith.index_cast %swap3A_138 : i32 to index
    %swap3A_140 = memref.load %arg6[%swap3A_139] : memref<17xi32, #tpu.memory_space<smem>>
    memref.store %swap3A_137, %arg6[%swap3A_139] : memref<17xi32, #tpu.memory_space<smem>>
    %dma_wait3A = arith.constant 0 : i32
    %dma_wait3A_141 = arith.constant 0 : i32
    %dma_wait3A_142 = arith.constant 0 : i32
    %dma_wait3A_143 = tpu.memref_slice %arg9[%dma_wait3A, %dma_wait3A_141, %dma_wait3A_142] : memref<2x288x128xf32, #tpu.memory_space<vmem>> -> memref<1x288x128xf32, #tpu.memory_space<vmem>>
    %dma_wait3A_144 = tpu.memref_squeeze %dma_wait3A_143 : memref<1x288x128xf32, #tpu.memory_space<vmem>> -> memref<288x128xf32, #tpu.memory_space<vmem>>
    %dma_wait3A_145 = arith.constant 0 : i32
    %dma_wait3A_146 = tpu.memref_slice %arg2[%add3A_4, %dma_wait3A_145] : memref<32768x128xf32, #tpu.memory_space<hbm>> -> memref<288x128xf32, #tpu.memory_space<hbm>>
    %dma_wait3A_147 = arith.constant 0 : i32
    %dma_wait3A_148 = arith.constant 0 : i32
    %dma_wait3A_149 = tpu.memref_slice %arg9[%dma_wait3A, %dma_wait3A_147, %dma_wait3A_148] : memref<2x288x128xf32, #tpu.memory_space<vmem>> -> memref<1x288x128xf32, #tpu.memory_space<vmem>>
    %dma_wait3A_150 = tpu.memref_squeeze %dma_wait3A_149 : memref<1x288x128xf32, #tpu.memory_space<vmem>> -> memref<288x128xf32, #tpu.memory_space<vmem>>
    %dma_wait3A_151 = arith.constant 0 : i32
    %dma_wait3A_152 = tpu.memref_slice %arg2[%add3A_4, %dma_wait3A_151] : memref<32768x128xf32, #tpu.memory_space<hbm>> -> memref<288x128xf32, #tpu.memory_space<hbm>>
    tpu.wait_dma2 semaphore(%arg10 : memref<!tpu.dma_semaphore, #tpu.memory_space<semaphore_mem>>) src(%dma_wait3A_152 : memref<288x128xf32, #tpu.memory_space<hbm>>) dst(%dma_wait3A_150 : memref<288x128xf32, #tpu.memory_space<vmem>>)
    %scan3A_153 = arith.constant 0 : i32
    %scan3A_154 = arith.constant 0 : i32
    %scan3A_155 = arith.constant 16 : i32
    %scan3A_156 = arith.addi %scan3A_154, %scan3A_155 : i32
    %scan3A_157 = arith.constant 1 : i32
    %scan3A_158 = scf.for %scan3A_180 = %scan3A_154 to %scan3A_156 step %scan3A_157 iter_args(%scan3A_181 = %scan3A_153) -> (i32)  : i32 {
      %get3A = arith.index_cast %scan3A_180 : i32 to index
      %get3A_182 = memref.load %arg6[%get3A] : memref<17xi32, #tpu.memory_space<smem>>
      %max3A = arith.constant 0 : i32
      %max3A_183 = arith.maxsi %get3A_182, %max3A : i32
      %add3A_184 = arith.constant 1 : i32
      %add3A_185 = arith.addi %scan3A_180, %add3A_184 : i32
      %get3A_186 = arith.index_cast %add3A_185 : i32 to index
      %get3A_187 = memref.load %arg6[%get3A_186] : memref<17xi32, #tpu.memory_space<smem>>
      %min3A = arith.constant 288 : i32
      %min3A_188 = arith.minsi %get3A_187, %min3A : i32
      %broadcast_in_dim3A_189 = arith.constant 0.000000e+00 : f32
      %broadcast_in_dim3A_190 = vector.broadcast %broadcast_in_dim3A_189 : f32 to vector<16xf32>
      %broadcast_in_dim3A_191 = arith.constant 0.000000e+00 : f32
      %broadcast_in_dim3A_192 = vector.broadcast %broadcast_in_dim3A_191 : f32 to vector<16xf32>
      %broadcast_in_dim3A_193 = arith.constant 0.000000e+00 : f32
      %broadcast_in_dim3A_194 = vector.broadcast %broadcast_in_dim3A_193 : f32 to vector<16xf32>
      %broadcast_in_dim3A_195 = arith.constant 0.000000e+00 : f32
      %broadcast_in_dim3A_196 = vector.broadcast %broadcast_in_dim3A_195 : f32 to vector<16xf32>
      %broadcast_in_dim3A_197 = arith.constant 0.000000e+00 : f32
      %broadcast_in_dim3A_198 = vector.broadcast %broadcast_in_dim3A_197 : f32 to vector<16xf32>
      %broadcast_in_dim3A_199 = arith.constant 0.000000e+00 : f32
      %broadcast_in_dim3A_200 = vector.broadcast %broadcast_in_dim3A_199 : f32 to vector<16xf32>
      %broadcast_in_dim3A_201 = arith.constant 0.000000e+00 : f32
      %broadcast_in_dim3A_202 = vector.broadcast %broadcast_in_dim3A_201 : f32 to vector<16xf32>
      %broadcast_in_dim3A_203 = arith.constant 0.000000e+00 : f32
      %broadcast_in_dim3A_204 = vector.broadcast %broadcast_in_dim3A_203 : f32 to vector<16xf32>
      %while3A = arith.subi %min3A_188, %max3A_183 : i32
      %while3A_205 = arith.addi %max3A_183, %while3A : i32
      %while3A_206 = arith.constant 1 : i32
      %while3A_207 = arith.divsi %while3A, %while3A_206 : i32
      %while3A_208 = arith.muli %while3A_207, %while3A_206 : i32
      %while3A_209 = arith.addi %max3A_183, %while3A_208 : i32
      %while3A_210 = arith.constant 1 : i32
      %while3A_211:8 = scf.for %while3A_217 = %max3A_183 to %while3A_209 step %while3A_210 iter_args(%while3A_218 = %broadcast_in_dim3A_190, %while3A_219 = %broadcast_in_dim3A_192, %while3A_220 = %broadcast_in_dim3A_194, %while3A_221 = %broadcast_in_dim3A_196, %while3A_222 = %broadcast_in_dim3A_198, %while3A_223 = %broadcast_in_dim3A_200, %while3A_224 = %broadcast_in_dim3A_202, %while3A_225 = %broadcast_in_dim3A_204) -> (vector<16xf32>, vector<16xf32>, vector<16xf32>, vector<16xf32>, vector<16xf32>, vector<16xf32>, vector<16xf32>, vector<16xf32>)  : i32 {
        %sub3A_226 = arith.constant 0 : i32
        %sub3A_227 = arith.subi %while3A_217, %sub3A_226 : i32
        %get3A_228 = arith.constant 0 : i32
        %get3A_229 = arith.index_cast %get3A_228 : i32 to index
        %get3A_230 = arith.index_cast %sub3A_227 : i32 to index
        %get3A_231 = arith.constant 0 : index
        %get3A_232 = tpu.vector_load %arg9[%get3A_229, %get3A_230, %get3A_231] {strides = array<i32>} : memref<2x288x128xf32, #tpu.memory_space<vmem>>, vector<16xf32>,
        %add3A_233 = arith.addf %while3A_218, %get3A_232 : vector<16xf32>
        %get3A_234 = arith.constant 0 : i32
        %get3A_235 = arith.index_cast %get3A_234 : i32 to index
        %get3A_236 = arith.index_cast %sub3A_227 : i32 to index
        %get3A_237 = arith.constant 16 : index
        %get3A_238 = tpu.vector_load %arg9[%get3A_235, %get3A_236, %get3A_237] {strides = array<i32>} : memref<2x288x128xf32, #tpu.memory_space<vmem>>, vector<16xf32>,
        %add3A_239 = arith.addf %while3A_219, %get3A_238 : vector<16xf32>
        %get3A_240 = arith.constant 0 : i32
        %get3A_241 = arith.index_cast %get3A_240 : i32 to index
        %get3A_242 = arith.index_cast %sub3A_227 : i32 to index
        %get3A_243 = arith.constant 32 : index
        %get3A_244 = tpu.vector_load %arg9[%get3A_241, %get3A_242, %get3A_243] {strides = array<i32>} : memref<2x288x128xf32, #tpu.memory_space<vmem>>, vector<16xf32>,
        %add3A_245 = arith.addf %while3A_220, %get3A_244 : vector<16xf32>
        %get3A_246 = arith.constant 0 : i32
        %get3A_247 = arith.index_cast %get3A_246 : i32 to index
        %get3A_248 = arith.index_cast %sub3A_227 : i32 to index
        %get3A_249 = arith.constant 48 : index
        %get3A_250 = tpu.vector_load %arg9[%get3A_247, %get3A_248, %get3A_249] {strides = array<i32>} : memref<2x288x128xf32, #tpu.memory_space<vmem>>, vector<16xf32>,
        %add3A_251 = arith.addf %while3A_221, %get3A_250 : vector<16xf32>
        %get3A_252 = arith.constant 0 : i32
        %get3A_253 = arith.index_cast %get3A_252 : i32 to index
        %get3A_254 = arith.index_cast %sub3A_227 : i32 to index
        %get3A_255 = arith.constant 64 : index
        %get3A_256 = tpu.vector_load %arg9[%get3A_253, %get3A_254, %get3A_255] {strides = array<i32>} : memref<2x288x128xf32, #tpu.memory_space<vmem>>, vector<16xf32>,
        %add3A_257 = arith.addf %while3A_222, %get3A_256 : vector<16xf32>
        %get3A_258 = arith.constant 0 : i32
        %get3A_259 = arith.index_cast %get3A_258 : i32 to index
        %get3A_260 = arith.index_cast %sub3A_227 : i32 to index
        %get3A_261 = arith.constant 80 : index
        %get3A_262 = tpu.vector_load %arg9[%get3A_259, %get3A_260, %get3A_261] {strides = array<i32>} : memref<2x288x128xf32, #tpu.memory_space<vmem>>, vector<16xf32>,
        %add3A_263 = arith.addf %while3A_223, %get3A_262 : vector<16xf32>
        %get3A_264 = arith.constant 0 : i32
        %get3A_265 = arith.index_cast %get3A_264 : i32 to index
        %get3A_266 = arith.index_cast %sub3A_227 : i32 to index
        %get3A_267 = arith.constant 96 : index
        %get3A_268 = tpu.vector_load %arg9[%get3A_265, %get3A_266, %get3A_267] {strides = array<i32>} : memref<2x288x128xf32, #tpu.memory_space<vmem>>, vector<16xf32>,
        %add3A_269 = arith.addf %while3A_224, %get3A_268 : vector<16xf32>
        %get3A_270 = arith.constant 0 : i32
        %get3A_271 = arith.index_cast %get3A_270 : i32 to index
        %get3A_272 = arith.index_cast %sub3A_227 : i32 to index
        %get3A_273 = arith.constant 112 : index
        %get3A_274 = tpu.vector_load %arg9[%get3A_271, %get3A_272, %get3A_273] {strides = array<i32>} : memref<2x288x128xf32, #tpu.memory_space<vmem>>, vector<16xf32>,
        %add3A_275 = arith.addf %while3A_225, %get3A_274 : vector<16xf32>
        scf.yield %add3A_233, %add3A_239, %add3A_245, %add3A_251, %add3A_257, %add3A_263, %add3A_269, %add3A_275 : vector<16xf32>, vector<16xf32>, vector<16xf32>, vector<16xf32>, vector<16xf32>, vector<16xf32>, vector<16xf32>, vector<16xf32>
      }
      %while3A_212 = arith.constant 1 : i32
      %while3A_213:8 = scf.for %while3A_217 = %while3A_209 to %while3A_205 step %while3A_212 iter_args(%while3A_218 = %while3A_211#0, %while3A_219 = %while3A_211#1, %while3A_220 = %while3A_211#2, %while3A_221 = %while3A_211#3, %while3A_222 = %while3A_211#4, %while3A_223 = %while3A_211#5, %while3A_224 = %while3A_211#6, %while3A_225 = %while3A_211#7) -> (vector<16xf32>, vector<16xf32>, vector<16xf32>, vector<16xf32>, vector<16xf32>, vector<16xf32>, vector<16xf32>, vector<16xf32>)  : i32 {
        %sub3A_226 = arith.constant 0 : i32
        %sub3A_227 = arith.subi %while3A_217, %sub3A_226 : i32
        %get3A_228 = arith.constant 0 : i32
        %get3A_229 = arith.index_cast %get3A_228 : i32 to index
        %get3A_230 = arith.index_cast %sub3A_227 : i32 to index
        %get3A_231 = arith.constant 0 : index
        %get3A_232 = tpu.vector_load %arg9[%get3A_229, %get3A_230, %get3A_231] {strides = array<i32>} : memref<2x288x128xf32, #tpu.memory_space<vmem>>, vector<16xf32>,
        %add3A_233 = arith.addf %while3A_218, %get3A_232 : vector<16xf32>
        %get3A_234 = arith.constant 0 : i32
        %get3A_235 = arith.index_cast %get3A_234 : i32 to index
        %get3A_236 = arith.index_cast %sub3A_227 : i32 to index
        %get3A_237 = arith.constant 16 : index
        %get3A_238 = tpu.vector_load %arg9[%get3A_235, %get3A_236, %get3A_237] {strides = array<i32>} : memref<2x288x128xf32, #tpu.memory_space<vmem>>, vector<16xf32>,
        %add3A_239 = arith.addf %while3A_219, %get3A_238 : vector<16xf32>
        %get3A_240 = arith.constant 0 : i32
        %get3A_241 = arith.index_cast %get3A_240 : i32 to index
        %get3A_242 = arith.index_cast %sub3A_227 : i32 to index
        %get3A_243 = arith.constant 32 : index
        %get3A_244 = tpu.vector_load %arg9[%get3A_241, %get3A_242, %get3A_243] {strides = array<i32>} : memref<2x288x128xf32, #tpu.memory_space<vmem>>, vector<16xf32>,
        %add3A_245 = arith.addf %while3A_220, %get3A_244 : vector<16xf32>
        %get3A_246 = arith.constant 0 : i32
        %get3A_247 = arith.index_cast %get3A_246 : i32 to index
        %get3A_248 = arith.index_cast %sub3A_227 : i32 to index
        %get3A_249 = arith.constant 48 : index
        %get3A_250 = tpu.vector_load %arg9[%get3A_247, %get3A_248, %get3A_249] {strides = array<i32>} : memref<2x288x128xf32, #tpu.memory_space<vmem>>, vector<16xf32>,
        %add3A_251 = arith.addf %while3A_221, %get3A_250 : vector<16xf32>
        %get3A_252 = arith.constant 0 : i32
        %get3A_253 = arith.index_cast %get3A_252 : i32 to index
        %get3A_254 = arith.index_cast %sub3A_227 : i32 to index
        %get3A_255 = arith.constant 64 : index
        %get3A_256 = tpu.vector_load %arg9[%get3A_253, %get3A_254, %get3A_255] {strides = array<i32>} : memref<2x288x128xf32, #tpu.memory_space<vmem>>, vector<16xf32>,
        %add3A_257 = arith.addf %while3A_222, %get3A_256 : vector<16xf32>
        %get3A_258 = arith.constant 0 : i32
        %get3A_259 = arith.index_cast %get3A_258 : i32 to index
        %get3A_260 = arith.index_cast %sub3A_227 : i32 to index
        %get3A_261 = arith.constant 80 : index
        %get3A_262 = tpu.vector_load %arg9[%get3A_259, %get3A_260, %get3A_261] {strides = array<i32>} : memref<2x288x128xf32, #tpu.memory_space<vmem>>, vector<16xf32>,
        %add3A_263 = arith.addf %while3A_223, %get3A_262 : vector<16xf32>
        %get3A_264 = arith.constant 0 : i32
        %get3A_265 = arith.index_cast %get3A_264 : i32 to index
        %get3A_266 = arith.index_cast %sub3A_227 : i32 to index
        %get3A_267 = arith.constant 96 : index
        %get3A_268 = tpu.vector_load %arg9[%get3A_265, %get3A_266, %get3A_267] {strides = array<i32>} : memref<2x288x128xf32, #tpu.memory_space<vmem>>, vector<16xf32>,
        %add3A_269 = arith.addf %while3A_224, %get3A_268 : vector<16xf32>
        %get3A_270 = arith.constant 0 : i32
        %get3A_271 = arith.index_cast %get3A_270 : i32 to index
        %get3A_272 = arith.index_cast %sub3A_227 : i32 to index
        %get3A_273 = arith.constant 112 : index
        %get3A_274 = tpu.vector_load %arg9[%get3A_271, %get3A_272, %get3A_273] {strides = array<i32>} : memref<2x288x128xf32, #tpu.memory_space<vmem>>, vector<16xf32>,
        %add3A_275 = arith.addf %while3A_225, %get3A_274 : vector<16xf32>
        scf.yield %add3A_233, %add3A_239, %add3A_245, %add3A_251, %add3A_257, %add3A_263, %add3A_269, %add3A_275 : vector<16xf32>, vector<16xf32>, vector<16xf32>, vector<16xf32>, vector<16xf32>, vector<16xf32>, vector<16xf32>, vector<16xf32>
      }
      %gt3A = arith.cmpi sgt, %min3A_188, %max3A_183 : i32
      %convert_element_type3A_214 = arith.extui %gt3A : i1 to i32
      %cond3A = arith.constant 0 : i32
      %cond3A_215 = arith.cmpi ne, %convert_element_type3A_214, %cond3A : i32
      scf.if %cond3A_215 {
        %get3A_217 = arith.index_cast %scan3A_180 : i32 to index
        %get3A_218 = arith.constant 0 : index
        %get3A_219 = tpu.vector_load %arg8[%get3A_217, %get3A_218] {strides = array<i32>} : memref<17x128xf32, #tpu.memory_space<vmem>>, vector<16xf32>,
        %add3A_220 = arith.addf %get3A_219, %while3A_213#0 : vector<16xf32>
        %swap3A_221 = arith.index_cast %scan3A_180 : i32 to index
        %swap3A_222 = arith.constant 0 : index
        %swap3A_223 = tpu.vector_load %arg8[%swap3A_221, %swap3A_222] {strides = array<i32>} : memref<17x128xf32, #tpu.memory_space<vmem>>, vector<16xf32>,
        tpu.vector_store %arg8[%swap3A_221, %swap3A_222], %add3A_220 {strides = array<i32>} : memref<17x128xf32, #tpu.memory_space<vmem>>, vector<16xf32>,
        %get3A_224 = arith.index_cast %scan3A_180 : i32 to index
        %get3A_225 = arith.constant 16 : index
        %get3A_226 = tpu.vector_load %arg8[%get3A_224, %get3A_225] {strides = array<i32>} : memref<17x128xf32, #tpu.memory_space<vmem>>, vector<16xf32>,
        %add3A_227 = arith.addf %get3A_226, %while3A_213#1 : vector<16xf32>
        %swap3A_228 = arith.index_cast %scan3A_180 : i32 to index
        %swap3A_229 = arith.constant 16 : index
        %swap3A_230 = tpu.vector_load %arg8[%swap3A_228, %swap3A_229] {strides = array<i32>} : memref<17x128xf32, #tpu.memory_space<vmem>>, vector<16xf32>,
        tpu.vector_store %arg8[%swap3A_228, %swap3A_229], %add3A_227 {strides = array<i32>} : memref<17x128xf32, #tpu.memory_space<vmem>>, vector<16xf32>,
        %get3A_231 = arith.index_cast %scan3A_180 : i32 to index
        %get3A_232 = arith.constant 32 : index
        %get3A_233 = tpu.vector_load %arg8[%get3A_231, %get3A_232] {strides = array<i32>} : memref<17x128xf32, #tpu.memory_space<vmem>>, vector<16xf32>,
        %add3A_234 = arith.addf %get3A_233, %while3A_213#2 : vector<16xf32>
        %swap3A_235 = arith.index_cast %scan3A_180 : i32 to index
        %swap3A_236 = arith.constant 32 : index
        %swap3A_237 = tpu.vector_load %arg8[%swap3A_235, %swap3A_236] {strides = array<i32>} : memref<17x128xf32, #tpu.memory_space<vmem>>, vector<16xf32>,
        tpu.vector_store %arg8[%swap3A_235, %swap3A_236], %add3A_234 {strides = array<i32>} : memref<17x128xf32, #tpu.memory_space<vmem>>, vector<16xf32>,
        %get3A_238 = arith.index_cast %scan3A_180 : i32 to index
        %get3A_239 = arith.constant 48 : index
        %get3A_240 = tpu.vector_load %arg8[%get3A_238, %get3A_239] {strides = array<i32>} : memref<17x128xf32, #tpu.memory_space<vmem>>, vector<16xf32>,
        %add3A_241 = arith.addf %get3A_240, %while3A_213#3 : vector<16xf32>
        %swap3A_242 = arith.index_cast %scan3A_180 : i32 to index
        %swap3A_243 = arith.constant 48 : index
        %swap3A_244 = tpu.vector_load %arg8[%swap3A_242, %swap3A_243] {strides = array<i32>} : memref<17x128xf32, #tpu.memory_space<vmem>>, vector<16xf32>,
        tpu.vector_store %arg8[%swap3A_242, %swap3A_243], %add3A_241 {strides = array<i32>} : memref<17x128xf32, #tpu.memory_space<vmem>>, vector<16xf32>,
        %get3A_245 = arith.index_cast %scan3A_180 : i32 to index
        %get3A_246 = arith.constant 64 : index
        %get3A_247 = tpu.vector_load %arg8[%get3A_245, %get3A_246] {strides = array<i32>} : memref<17x128xf32, #tpu.memory_space<vmem>>, vector<16xf32>,
        %add3A_248 = arith.addf %get3A_247, %while3A_213#4 : vector<16xf32>
        %swap3A_249 = arith.index_cast %scan3A_180 : i32 to index
        %swap3A_250 = arith.constant 64 : index
        %swap3A_251 = tpu.vector_load %arg8[%swap3A_249, %swap3A_250] {strides = array<i32>} : memref<17x128xf32, #tpu.memory_space<vmem>>, vector<16xf32>,
        tpu.vector_store %arg8[%swap3A_249, %swap3A_250], %add3A_248 {strides = array<i32>} : memref<17x128xf32, #tpu.memory_space<vmem>>, vector<16xf32>,
        %get3A_252 = arith.index_cast %scan3A_180 : i32 to index
        %get3A_253 = arith.constant 80 : index
        %get3A_254 = tpu.vector_load %arg8[%get3A_252, %get3A_253] {strides = array<i32>} : memref<17x128xf32, #tpu.memory_space<vmem>>, vector<16xf32>,
        %add3A_255 = arith.addf %get3A_254, %while3A_213#5 : vector<16xf32>
        %swap3A_256 = arith.index_cast %scan3A_180 : i32 to index
        %swap3A_257 = arith.constant 80 : index
        %swap3A_258 = tpu.vector_load %arg8[%swap3A_256, %swap3A_257] {strides = array<i32>} : memref<17x128xf32, #tpu.memory_space<vmem>>, vector<16xf32>,
        tpu.vector_store %arg8[%swap3A_256, %swap3A_257], %add3A_255 {strides = array<i32>} : memref<17x128xf32, #tpu.memory_space<vmem>>, vector<16xf32>,
        %get3A_259 = arith.index_cast %scan3A_180 : i32 to index
        %get3A_260 = arith.constant 96 : index
        %get3A_261 = tpu.vector_load %arg8[%get3A_259, %get3A_260] {strides = array<i32>} : memref<17x128xf32, #tpu.memory_space<vmem>>, vector<16xf32>,
        %add3A_262 = arith.addf %get3A_261, %while3A_213#6 : vector<16xf32>
        %swap3A_263 = arith.index_cast %scan3A_180 : i32 to index
        %swap3A_264 = arith.constant 96 : index
        %swap3A_265 = tpu.vector_load %arg8[%swap3A_263, %swap3A_264] {strides = array<i32>} : memref<17x128xf32, #tpu.memory_space<vmem>>, vector<16xf32>,
        tpu.vector_store %arg8[%swap3A_263, %swap3A_264], %add3A_262 {strides = array<i32>} : memref<17x128xf32, #tpu.memory_space<vmem>>, vector<16xf32>,
        %get3A_266 = arith.index_cast %scan3A_180 : i32 to index
        %get3A_267 = arith.constant 112 : index
        %get3A_268 = tpu.vector_load %arg8[%get3A_266, %get3A_267] {strides = array<i32>} : memref<17x128xf32, #tpu.memory_space<vmem>>, vector<16xf32>,
        %add3A_269 = arith.addf %get3A_268, %while3A_213#7 : vector<16xf32>
        %swap3A_270 = arith.index_cast %scan3A_180 : i32 to index
        %swap3A_271 = arith.constant 112 : index
        %swap3A_272 = tpu.vector_load %arg8[%swap3A_270, %swap3A_271] {strides = array<i32>} : memref<17x128xf32, #tpu.memory_space<vmem>>, vector<16xf32>,
        tpu.vector_store %arg8[%swap3A_270, %swap3A_271], %add3A_269 {strides = array<i32>} : memref<17x128xf32, #tpu.memory_space<vmem>>, vector<16xf32>,
      } else {
      }
      %scan3A_216 = arith.constant 0 : i32
      scf.yield %scan3A_216 : i32
    }
    %scan3A_159 = arith.constant 16 : i32
    %dma_wait3A_160 = arith.constant 1 : i32
    %dma_wait3A_161 = arith.constant 0 : i32
    %dma_wait3A_162 = arith.constant 0 : i32
    %dma_wait3A_163 = tpu.memref_slice %arg9[%dma_wait3A_160, %dma_wait3A_161, %dma_wait3A_162] : memref<2x288x128xf32, #tpu.memory_space<vmem>> -> memref<1x288x128xf32, #tpu.memory_space<vmem>>
    %dma_wait3A_164 = tpu.memref_squeeze %dma_wait3A_163 : memref<1x288x128xf32, #tpu.memory_space<vmem>> -> memref<288x128xf32, #tpu.memory_space<vmem>>
    %dma_wait3A_165 = arith.constant 0 : i32
    %dma_wait3A_166 = tpu.memref_slice %arg2[%add3A_18, %dma_wait3A_165] : memref<32768x128xf32, #tpu.memory_space<hbm>> -> memref<288x128xf32, #tpu.memory_space<hbm>>
    %dma_wait3A_167 = arith.constant 0 : i32
    %dma_wait3A_168 = arith.constant 0 : i32
    %dma_wait3A_169 = tpu.memref_slice %arg9[%dma_wait3A_160, %dma_wait3A_167, %dma_wait3A_168] : memref<2x288x128xf32, #tpu.memory_space<vmem>> -> memref<1x288x128xf32, #tpu.memory_space<vmem>>
    %dma_wait3A_170 = tpu.memref_squeeze %dma_wait3A_169 : memref<1x288x128xf32, #tpu.memory_space<vmem>> -> memref<288x128xf32, #tpu.memory_space<vmem>>
    %dma_wait3A_171 = arith.constant 0 : i32
    %dma_wait3A_172 = tpu.memref_slice %arg2[%add3A_18, %dma_wait3A_171] : memref<32768x128xf32, #tpu.memory_space<hbm>> -> memref<288x128xf32, #tpu.memory_space<hbm>>
    tpu.wait_dma2 semaphore(%arg11 : memref<!tpu.dma_semaphore, #tpu.memory_space<semaphore_mem>>) src(%dma_wait3A_172 : memref<288x128xf32, #tpu.memory_space<hbm>>) dst(%dma_wait3A_170 : memref<288x128xf32, #tpu.memory_space<vmem>>)
    %scan3A_173 = arith.constant 0 : i32
    %scan3A_174 = arith.constant 0 : i32
    %scan3A_175 = arith.constant 16 : i32
    %scan3A_176 = arith.addi %scan3A_174, %scan3A_175 : i32
    %scan3A_177 = arith.constant 1 : i32
    %scan3A_178 = scf.for %scan3A_180 = %scan3A_174 to %scan3A_176 step %scan3A_177 iter_args(%scan3A_181 = %scan3A_173) -> (i32)  : i32 {
      %get3A = arith.index_cast %scan3A_180 : i32 to index
      %get3A_182 = memref.load %arg6[%get3A] : memref<17xi32, #tpu.memory_space<smem>>
      %max3A = arith.constant 288 : i32
      %max3A_183 = arith.maxsi %get3A_182, %max3A : i32
      %add3A_184 = arith.constant 1 : i32
      %add3A_185 = arith.addi %scan3A_180, %add3A_184 : i32
      %get3A_186 = arith.index_cast %add3A_185 : i32 to index
      %get3A_187 = memref.load %arg6[%get3A_186] : memref<17xi32, #tpu.memory_space<smem>>
      %min3A = arith.constant 576 : i32
      %min3A_188 = arith.minsi %get3A_187, %min3A : i32
      %broadcast_in_dim3A_189 = arith.constant 0.000000e+00 : f32
      %broadcast_in_dim3A_190 = vector.broadcast %broadcast_in_dim3A_189 : f32 to vector<16xf32>
      %broadcast_in_dim3A_191 = arith.constant 0.000000e+00 : f32
      %broadcast_in_dim3A_192 = vector.broadcast %broadcast_in_dim3A_191 : f32 to vector<16xf32>
      %broadcast_in_dim3A_193 = arith.constant 0.000000e+00 : f32
      %broadcast_in_dim3A_194 = vector.broadcast %broadcast_in_dim3A_193 : f32 to vector<16xf32>
      %broadcast_in_dim3A_195 = arith.constant 0.000000e+00 : f32
      %broadcast_in_dim3A_196 = vector.broadcast %broadcast_in_dim3A_195 : f32 to vector<16xf32>
      %broadcast_in_dim3A_197 = arith.constant 0.000000e+00 : f32
      %broadcast_in_dim3A_198 = vector.broadcast %broadcast_in_dim3A_197 : f32 to vector<16xf32>
      %broadcast_in_dim3A_199 = arith.constant 0.000000e+00 : f32
      %broadcast_in_dim3A_200 = vector.broadcast %broadcast_in_dim3A_199 : f32 to vector<16xf32>
      %broadcast_in_dim3A_201 = arith.constant 0.000000e+00 : f32
      %broadcast_in_dim3A_202 = vector.broadcast %broadcast_in_dim3A_201 : f32 to vector<16xf32>
      %broadcast_in_dim3A_203 = arith.constant 0.000000e+00 : f32
      %broadcast_in_dim3A_204 = vector.broadcast %broadcast_in_dim3A_203 : f32 to vector<16xf32>
      %while3A = arith.subi %min3A_188, %max3A_183 : i32
      %while3A_205 = arith.addi %max3A_183, %while3A : i32
      %while3A_206 = arith.constant 1 : i32
      %while3A_207 = arith.divsi %while3A, %while3A_206 : i32
      %while3A_208 = arith.muli %while3A_207, %while3A_206 : i32
      %while3A_209 = arith.addi %max3A_183, %while3A_208 : i32
      %while3A_210 = arith.constant 1 : i32
      %while3A_211:8 = scf.for %while3A_217 = %max3A_183 to %while3A_209 step %while3A_210 iter_args(%while3A_218 = %broadcast_in_dim3A_190, %while3A_219 = %broadcast_in_dim3A_192, %while3A_220 = %broadcast_in_dim3A_194, %while3A_221 = %broadcast_in_dim3A_196, %while3A_222 = %broadcast_in_dim3A_198, %while3A_223 = %broadcast_in_dim3A_200, %while3A_224 = %broadcast_in_dim3A_202, %while3A_225 = %broadcast_in_dim3A_204) -> (vector<16xf32>, vector<16xf32>, vector<16xf32>, vector<16xf32>, vector<16xf32>, vector<16xf32>, vector<16xf32>, vector<16xf32>)  : i32 {
        %sub3A_226 = arith.constant 288 : i32
        %sub3A_227 = arith.subi %while3A_217, %sub3A_226 : i32
        %get3A_228 = arith.constant 1 : i32
        %get3A_229 = arith.index_cast %get3A_228 : i32 to index
        %get3A_230 = arith.index_cast %sub3A_227 : i32 to index
        %get3A_231 = arith.constant 0 : index
        %get3A_232 = tpu.vector_load %arg9[%get3A_229, %get3A_230, %get3A_231] {strides = array<i32>} : memref<2x288x128xf32, #tpu.memory_space<vmem>>, vector<16xf32>,
        %add3A_233 = arith.addf %while3A_218, %get3A_232 : vector<16xf32>
        %get3A_234 = arith.constant 1 : i32
        %get3A_235 = arith.index_cast %get3A_234 : i32 to index
        %get3A_236 = arith.index_cast %sub3A_227 : i32 to index
        %get3A_237 = arith.constant 16 : index
        %get3A_238 = tpu.vector_load %arg9[%get3A_235, %get3A_236, %get3A_237] {strides = array<i32>} : memref<2x288x128xf32, #tpu.memory_space<vmem>>, vector<16xf32>,
        %add3A_239 = arith.addf %while3A_219, %get3A_238 : vector<16xf32>
        %get3A_240 = arith.constant 1 : i32
        %get3A_241 = arith.index_cast %get3A_240 : i32 to index
        %get3A_242 = arith.index_cast %sub3A_227 : i32 to index
        %get3A_243 = arith.constant 32 : index
        %get3A_244 = tpu.vector_load %arg9[%get3A_241, %get3A_242, %get3A_243] {strides = array<i32>} : memref<2x288x128xf32, #tpu.memory_space<vmem>>, vector<16xf32>,
        %add3A_245 = arith.addf %while3A_220, %get3A_244 : vector<16xf32>
        %get3A_246 = arith.constant 1 : i32
        %get3A_247 = arith.index_cast %get3A_246 : i32 to index
        %get3A_248 = arith.index_cast %sub3A_227 : i32 to index
        %get3A_249 = arith.constant 48 : index
        %get3A_250 = tpu.vector_load %arg9[%get3A_247, %get3A_248, %get3A_249] {strides = array<i32>} : memref<2x288x128xf32, #tpu.memory_space<vmem>>, vector<16xf32>,
        %add3A_251 = arith.addf %while3A_221, %get3A_250 : vector<16xf32>
        %get3A_252 = arith.constant 1 : i32
        %get3A_253 = arith.index_cast %get3A_252 : i32 to index
        %get3A_254 = arith.index_cast %sub3A_227 : i32 to index
        %get3A_255 = arith.constant 64 : index
        %get3A_256 = tpu.vector_load %arg9[%get3A_253, %get3A_254, %get3A_255] {strides = array<i32>} : memref<2x288x128xf32, #tpu.memory_space<vmem>>, vector<16xf32>,
        %add3A_257 = arith.addf %while3A_222, %get3A_256 : vector<16xf32>
        %get3A_258 = arith.constant 1 : i32
        %get3A_259 = arith.index_cast %get3A_258 : i32 to index
        %get3A_260 = arith.index_cast %sub3A_227 : i32 to index
        %get3A_261 = arith.constant 80 : index
        %get3A_262 = tpu.vector_load %arg9[%get3A_259, %get3A_260, %get3A_261] {strides = array<i32>} : memref<2x288x128xf32, #tpu.memory_space<vmem>>, vector<16xf32>,
        %add3A_263 = arith.addf %while3A_223, %get3A_262 : vector<16xf32>
        %get3A_264 = arith.constant 1 : i32
        %get3A_265 = arith.index_cast %get3A_264 : i32 to index
        %get3A_266 = arith.index_cast %sub3A_227 : i32 to index
        %get3A_267 = arith.constant 96 : index
        %get3A_268 = tpu.vector_load %arg9[%get3A_265, %get3A_266, %get3A_267] {strides = array<i32>} : memref<2x288x128xf32, #tpu.memory_space<vmem>>, vector<16xf32>,
        %add3A_269 = arith.addf %while3A_224, %get3A_268 : vector<16xf32>
        %get3A_270 = arith.constant 1 : i32
        %get3A_271 = arith.index_cast %get3A_270 : i32 to index
        %get3A_272 = arith.index_cast %sub3A_227 : i32 to index
        %get3A_273 = arith.constant 112 : index
        %get3A_274 = tpu.vector_load %arg9[%get3A_271, %get3A_272, %get3A_273] {strides = array<i32>} : memref<2x288x128xf32, #tpu.memory_space<vmem>>, vector<16xf32>,
        %add3A_275 = arith.addf %while3A_225, %get3A_274 : vector<16xf32>
        scf.yield %add3A_233, %add3A_239, %add3A_245, %add3A_251, %add3A_257, %add3A_263, %add3A_269, %add3A_275 : vector<16xf32>, vector<16xf32>, vector<16xf32>, vector<16xf32>, vector<16xf32>, vector<16xf32>, vector<16xf32>, vector<16xf32>
      }
      %while3A_212 = arith.constant 1 : i32
      %while3A_213:8 = scf.for %while3A_217 = %while3A_209 to %while3A_205 step %while3A_212 iter_args(%while3A_218 = %while3A_211#0, %while3A_219 = %while3A_211#1, %while3A_220 = %while3A_211#2, %while3A_221 = %while3A_211#3, %while3A_222 = %while3A_211#4, %while3A_223 = %while3A_211#5, %while3A_224 = %while3A_211#6, %while3A_225 = %while3A_211#7) -> (vector<16xf32>, vector<16xf32>, vector<16xf32>, vector<16xf32>, vector<16xf32>, vector<16xf32>, vector<16xf32>, vector<16xf32>)  : i32 {
        %sub3A_226 = arith.constant 288 : i32
        %sub3A_227 = arith.subi %while3A_217, %sub3A_226 : i32
        %get3A_228 = arith.constant 1 : i32
        %get3A_229 = arith.index_cast %get3A_228 : i32 to index
        %get3A_230 = arith.index_cast %sub3A_227 : i32 to index
        %get3A_231 = arith.constant 0 : index
        %get3A_232 = tpu.vector_load %arg9[%get3A_229, %get3A_230, %get3A_231] {strides = array<i32>} : memref<2x288x128xf32, #tpu.memory_space<vmem>>, vector<16xf32>,
        %add3A_233 = arith.addf %while3A_218, %get3A_232 : vector<16xf32>
        %get3A_234 = arith.constant 1 : i32
        %get3A_235 = arith.index_cast %get3A_234 : i32 to index
        %get3A_236 = arith.index_cast %sub3A_227 : i32 to index
        %get3A_237 = arith.constant 16 : index
        %get3A_238 = tpu.vector_load %arg9[%get3A_235, %get3A_236, %get3A_237] {strides = array<i32>} : memref<2x288x128xf32, #tpu.memory_space<vmem>>, vector<16xf32>,
        %add3A_239 = arith.addf %while3A_219, %get3A_238 : vector<16xf32>
        %get3A_240 = arith.constant 1 : i32
        %get3A_241 = arith.index_cast %get3A_240 : i32 to index
        %get3A_242 = arith.index_cast %sub3A_227 : i32 to index
        %get3A_243 = arith.constant 32 : index
        %get3A_244 = tpu.vector_load %arg9[%get3A_241, %get3A_242, %get3A_243] {strides = array<i32>} : memref<2x288x128xf32, #tpu.memory_space<vmem>>, vector<16xf32>,
        %add3A_245 = arith.addf %while3A_220, %get3A_244 : vector<16xf32>
        %get3A_246 = arith.constant 1 : i32
        %get3A_247 = arith.index_cast %get3A_246 : i32 to index
        %get3A_248 = arith.index_cast %sub3A_227 : i32 to index
        %get3A_249 = arith.constant 48 : index
        %get3A_250 = tpu.vector_load %arg9[%get3A_247, %get3A_248, %get3A_249] {strides = array<i32>} : memref<2x288x128xf32, #tpu.memory_space<vmem>>, vector<16xf32>,
        %add3A_251 = arith.addf %while3A_221, %get3A_250 : vector<16xf32>
        %get3A_252 = arith.constant 1 : i32
        %get3A_253 = arith.index_cast %get3A_252 : i32 to index
        %get3A_254 = arith.index_cast %sub3A_227 : i32 to index
        %get3A_255 = arith.constant 64 : index
        %get3A_256 = tpu.vector_load %arg9[%get3A_253, %get3A_254, %get3A_255] {strides = array<i32>} : memref<2x288x128xf32, #tpu.memory_space<vmem>>, vector<16xf32>,
        %add3A_257 = arith.addf %while3A_222, %get3A_256 : vector<16xf32>
        %get3A_258 = arith.constant 1 : i32
        %get3A_259 = arith.index_cast %get3A_258 : i32 to index
        %get3A_260 = arith.index_cast %sub3A_227 : i32 to index
        %get3A_261 = arith.constant 80 : index
        %get3A_262 = tpu.vector_load %arg9[%get3A_259, %get3A_260, %get3A_261] {strides = array<i32>} : memref<2x288x128xf32, #tpu.memory_space<vmem>>, vector<16xf32>,
        %add3A_263 = arith.addf %while3A_223, %get3A_262 : vector<16xf32>
        %get3A_264 = arith.constant 1 : i32
        %get3A_265 = arith.index_cast %get3A_264 : i32 to index
        %get3A_266 = arith.index_cast %sub3A_227 : i32 to index
        %get3A_267 = arith.constant 96 : index
        %get3A_268 = tpu.vector_load %arg9[%get3A_265, %get3A_266, %get3A_267] {strides = array<i32>} : memref<2x288x128xf32, #tpu.memory_space<vmem>>, vector<16xf32>,
        %add3A_269 = arith.addf %while3A_224, %get3A_268 : vector<16xf32>
        %get3A_270 = arith.constant 1 : i32
        %get3A_271 = arith.index_cast %get3A_270 : i32 to index
        %get3A_272 = arith.index_cast %sub3A_227 : i32 to index
        %get3A_273 = arith.constant 112 : index
        %get3A_274 = tpu.vector_load %arg9[%get3A_271, %get3A_272, %get3A_273] {strides = array<i32>} : memref<2x288x128xf32, #tpu.memory_space<vmem>>, vector<16xf32>,
        %add3A_275 = arith.addf %while3A_225, %get3A_274 : vector<16xf32>
        scf.yield %add3A_233, %add3A_239, %add3A_245, %add3A_251, %add3A_257, %add3A_263, %add3A_269, %add3A_275 : vector<16xf32>, vector<16xf32>, vector<16xf32>, vector<16xf32>, vector<16xf32>, vector<16xf32>, vector<16xf32>, vector<16xf32>
      }
      %gt3A = arith.cmpi sgt, %min3A_188, %max3A_183 : i32
      %convert_element_type3A_214 = arith.extui %gt3A : i1 to i32
      %cond3A = arith.constant 0 : i32
      %cond3A_215 = arith.cmpi ne, %convert_element_type3A_214, %cond3A : i32
      scf.if %cond3A_215 {
        %get3A_217 = arith.index_cast %scan3A_180 : i32 to index
        %get3A_218 = arith.constant 0 : index
        %get3A_219 = tpu.vector_load %arg8[%get3A_217, %get3A_218] {strides = array<i32>} : memref<17x128xf32, #tpu.memory_space<vmem>>, vector<16xf32>,
        %add3A_220 = arith.addf %get3A_219, %while3A_213#0 : vector<16xf32>
        %swap3A_221 = arith.index_cast %scan3A_180 : i32 to index
        %swap3A_222 = arith.constant 0 : index
        %swap3A_223 = tpu.vector_load %arg8[%swap3A_221, %swap3A_222] {strides = array<i32>} : memref<17x128xf32, #tpu.memory_space<vmem>>, vector<16xf32>,
        tpu.vector_store %arg8[%swap3A_221, %swap3A_222], %add3A_220 {strides = array<i32>} : memref<17x128xf32, #tpu.memory_space<vmem>>, vector<16xf32>,
        %get3A_224 = arith.index_cast %scan3A_180 : i32 to index
        %get3A_225 = arith.constant 16 : index
        %get3A_226 = tpu.vector_load %arg8[%get3A_224, %get3A_225] {strides = array<i32>} : memref<17x128xf32, #tpu.memory_space<vmem>>, vector<16xf32>,
        %add3A_227 = arith.addf %get3A_226, %while3A_213#1 : vector<16xf32>
        %swap3A_228 = arith.index_cast %scan3A_180 : i32 to index
        %swap3A_229 = arith.constant 16 : index
        %swap3A_230 = tpu.vector_load %arg8[%swap3A_228, %swap3A_229] {strides = array<i32>} : memref<17x128xf32, #tpu.memory_space<vmem>>, vector<16xf32>,
        tpu.vector_store %arg8[%swap3A_228, %swap3A_229], %add3A_227 {strides = array<i32>} : memref<17x128xf32, #tpu.memory_space<vmem>>, vector<16xf32>,
        %get3A_231 = arith.index_cast %scan3A_180 : i32 to index
        %get3A_232 = arith.constant 32 : index
        %get3A_233 = tpu.vector_load %arg8[%get3A_231, %get3A_232] {strides = array<i32>} : memref<17x128xf32, #tpu.memory_space<vmem>>, vector<16xf32>,
        %add3A_234 = arith.addf %get3A_233, %while3A_213#2 : vector<16xf32>
        %swap3A_235 = arith.index_cast %scan3A_180 : i32 to index
        %swap3A_236 = arith.constant 32 : index
        %swap3A_237 = tpu.vector_load %arg8[%swap3A_235, %swap3A_236] {strides = array<i32>} : memref<17x128xf32, #tpu.memory_space<vmem>>, vector<16xf32>,
        tpu.vector_store %arg8[%swap3A_235, %swap3A_236], %add3A_234 {strides = array<i32>} : memref<17x128xf32, #tpu.memory_space<vmem>>, vector<16xf32>,
        %get3A_238 = arith.index_cast %scan3A_180 : i32 to index
        %get3A_239 = arith.constant 48 : index
        %get3A_240 = tpu.vector_load %arg8[%get3A_238, %get3A_239] {strides = array<i32>} : memref<17x128xf32, #tpu.memory_space<vmem>>, vector<16xf32>,
        %add3A_241 = arith.addf %get3A_240, %while3A_213#3 : vector<16xf32>
        %swap3A_242 = arith.index_cast %scan3A_180 : i32 to index
        %swap3A_243 = arith.constant 48 : index
        %swap3A_244 = tpu.vector_load %arg8[%swap3A_242, %swap3A_243] {strides = array<i32>} : memref<17x128xf32, #tpu.memory_space<vmem>>, vector<16xf32>,
        tpu.vector_store %arg8[%swap3A_242, %swap3A_243], %add3A_241 {strides = array<i32>} : memref<17x128xf32, #tpu.memory_space<vmem>>, vector<16xf32>,
        %get3A_245 = arith.index_cast %scan3A_180 : i32 to index
        %get3A_246 = arith.constant 64 : index
        %get3A_247 = tpu.vector_load %arg8[%get3A_245, %get3A_246] {strides = array<i32>} : memref<17x128xf32, #tpu.memory_space<vmem>>, vector<16xf32>,
        %add3A_248 = arith.addf %get3A_247, %while3A_213#4 : vector<16xf32>
        %swap3A_249 = arith.index_cast %scan3A_180 : i32 to index
        %swap3A_250 = arith.constant 64 : index
        %swap3A_251 = tpu.vector_load %arg8[%swap3A_249, %swap3A_250] {strides = array<i32>} : memref<17x128xf32, #tpu.memory_space<vmem>>, vector<16xf32>,
        tpu.vector_store %arg8[%swap3A_249, %swap3A_250], %add3A_248 {strides = array<i32>} : memref<17x128xf32, #tpu.memory_space<vmem>>, vector<16xf32>,
        %get3A_252 = arith.index_cast %scan3A_180 : i32 to index
        %get3A_253 = arith.constant 80 : index
        %get3A_254 = tpu.vector_load %arg8[%get3A_252, %get3A_253] {strides = array<i32>} : memref<17x128xf32, #tpu.memory_space<vmem>>, vector<16xf32>,
        %add3A_255 = arith.addf %get3A_254, %while3A_213#5 : vector<16xf32>
        %swap3A_256 = arith.index_cast %scan3A_180 : i32 to index
        %swap3A_257 = arith.constant 80 : index
        %swap3A_258 = tpu.vector_load %arg8[%swap3A_256, %swap3A_257] {strides = array<i32>} : memref<17x128xf32, #tpu.memory_space<vmem>>, vector<16xf32>,
        tpu.vector_store %arg8[%swap3A_256, %swap3A_257], %add3A_255 {strides = array<i32>} : memref<17x128xf32, #tpu.memory_space<vmem>>, vector<16xf32>,
        %get3A_259 = arith.index_cast %scan3A_180 : i32 to index
        %get3A_260 = arith.constant 96 : index
        %get3A_261 = tpu.vector_load %arg8[%get3A_259, %get3A_260] {strides = array<i32>} : memref<17x128xf32, #tpu.memory_space<vmem>>, vector<16xf32>,
        %add3A_262 = arith.addf %get3A_261, %while3A_213#6 : vector<16xf32>
        %swap3A_263 = arith.index_cast %scan3A_180 : i32 to index
        %swap3A_264 = arith.constant 96 : index
        %swap3A_265 = tpu.vector_load %arg8[%swap3A_263, %swap3A_264] {strides = array<i32>} : memref<17x128xf32, #tpu.memory_space<vmem>>, vector<16xf32>,
        tpu.vector_store %arg8[%swap3A_263, %swap3A_264], %add3A_262 {strides = array<i32>} : memref<17x128xf32, #tpu.memory_space<vmem>>, vector<16xf32>,
        %get3A_266 = arith.index_cast %scan3A_180 : i32 to index
        %get3A_267 = arith.constant 112 : index
        %get3A_268 = tpu.vector_load %arg8[%get3A_266, %get3A_267] {strides = array<i32>} : memref<17x128xf32, #tpu.memory_space<vmem>>, vector<16xf32>,
        %add3A_269 = arith.addf %get3A_268, %while3A_213#7 : vector<16xf32>
        %swap3A_270 = arith.index_cast %scan3A_180 : i32 to index
        %swap3A_271 = arith.constant 112 : index
        %swap3A_272 = tpu.vector_load %arg8[%swap3A_270, %swap3A_271] {strides = array<i32>} : memref<17x128xf32, #tpu.memory_space<vmem>>, vector<16xf32>,
        tpu.vector_store %arg8[%swap3A_270, %swap3A_271], %add3A_269 {strides = array<i32>} : memref<17x128xf32, #tpu.memory_space<vmem>>, vector<16xf32>,
      } else {
      }
      %scan3A_216 = arith.constant 0 : i32
      scf.yield %scan3A_216 : i32
    }
    %scan3A_179 = arith.constant 16 : i32
    "tpu.region"() ({
      %run_scoped3A = tpu.sem_alloc : memref<!tpu.dma_semaphore, #tpu.memory_space<semaphore_mem>>
      %dma_start3A_180 = arith.constant 0 : i32
      %dma_start3A_181 = arith.constant 0 : i32
      %dma_start3A_182 = tpu.memref_slice %arg4[%add3A, %dma_start3A_180, %dma_start3A_181] : memref<32x17x128xf32, #tpu.memory_space<hbm>> -> memref<1x17x128xf32, #tpu.memory_space<hbm>>
      %dma_start3A_183 = tpu.memref_squeeze %dma_start3A_182 : memref<1x17x128xf32, #tpu.memory_space<hbm>> -> memref<17x128xf32, #tpu.memory_space<hbm>>
      %dma_start3A_184 = arith.constant 0 : i32
      %dma_start3A_185 = arith.constant 0 : i32
      %dma_start3A_186 = tpu.memref_slice %arg4[%add3A, %dma_start3A_184, %dma_start3A_185] : memref<32x17x128xf32, #tpu.memory_space<hbm>> -> memref<1x17x128xf32, #tpu.memory_space<hbm>>
      %dma_start3A_187 = tpu.memref_squeeze %dma_start3A_186 : memref<1x17x128xf32, #tpu.memory_space<hbm>> -> memref<17x128xf32, #tpu.memory_space<hbm>>
      tpu.enqueue_dma source(%arg8 : memref<17x128xf32, #tpu.memory_space<vmem>>) target(%dma_start3A_187 : memref<17x128xf32, #tpu.memory_space<hbm>>) target_semaphore(%run_scoped3A : memref<!tpu.dma_semaphore, #tpu.memory_space<semaphore_mem>>)
      %dma_wait3A_188 = arith.constant 0 : i32
      %dma_wait3A_189 = arith.constant 0 : i32
      %dma_wait3A_190 = tpu.memref_slice %arg4[%add3A, %dma_wait3A_188, %dma_wait3A_189] : memref<32x17x128xf32, #tpu.memory_space<hbm>> -> memref<1x17x128xf32, #tpu.memory_space<hbm>>
      %dma_wait3A_191 = tpu.memref_squeeze %dma_wait3A_190 : memref<1x17x128xf32, #tpu.memory_space<hbm>> -> memref<17x128xf32, #tpu.memory_space<hbm>>
      %dma_wait3A_192 = arith.constant 0 : i32
      %dma_wait3A_193 = arith.constant 0 : i32
      %dma_wait3A_194 = tpu.memref_slice %arg4[%add3A, %dma_wait3A_192, %dma_wait3A_193] : memref<32x17x128xf32, #tpu.memory_space<hbm>> -> memref<1x17x128xf32, #tpu.memory_space<hbm>>
      %dma_wait3A_195 = tpu.memref_squeeze %dma_wait3A_194 : memref<1x17x128xf32, #tpu.memory_space<hbm>> -> memref<17x128xf32, #tpu.memory_space<hbm>>
      tpu.wait_dma2 semaphore(%run_scoped3A : memref<!tpu.dma_semaphore, #tpu.memory_space<semaphore_mem>>) src(%arg8 : memref<17x128xf32, #tpu.memory_space<vmem>>) dst(%dma_wait3A_195 : memref<17x128xf32, #tpu.memory_space<hbm>>)
      tpu.yield
    }) : () -> ()
    return
  }
}

module attributes {stable_mosaic.version = 14 : i64} {
  func.func @_combine_body(%arg0: memref<32x17x128xf32, #tpu.memory_space<vmem>>, %arg1: memref<16x128xf32, #tpu.memory_space<vmem>>, %arg2: memref<16x128xf32, #tpu.memory_space<vmem>>, %arg3: memref<16x128xf32, #tpu.memory_space<vmem>>) attributes {dimension_semantics = [], scalar_prefetch = 0 : i64, scratch_operands = 0 : i64, tpu.core_type = #tpu.core_type<tc>} {
    %get3A = arith.constant 0 : index
    %get3A_0 = arith.constant 0 : index
    %get3A_1 = arith.constant 0 : index
    %get3A_2 = vector.load %arg0[%get3A, %get3A_0, %get3A_1] : memref<32x17x128xf32, #tpu.memory_space<vmem>>, vector<32x17x128xf32>
    %reduce_sum3A = arith.constant dense<0.000000e+00> : vector<17x128xf32>
    %reduce_sum3A_3 = vector.multi_reduction <add>, %get3A_2, %reduce_sum3A [0] : vector<32x17x128xf32> to vector<17x128xf32>
    %slice3A = vector.extract_strided_slice %reduce_sum3A_3 {offsets = [0, 0], sizes = [16, 128], strides = [1, 1]} : vector<17x128xf32> to vector<16x128xf32>
    %get3A_4 = arith.constant 0 : index
    %get3A_5 = arith.constant 0 : index
    %get3A_6 = vector.load %arg1[%get3A_4, %get3A_5] : memref<16x128xf32, #tpu.memory_space<vmem>>, vector<16x128xf32>
    %add3A = arith.addf %slice3A, %get3A_6 : vector<16x128xf32>
    %slice3A_7 = vector.extract_strided_slice %reduce_sum3A_3 {offsets = [16, 0], sizes = [1, 16], strides = [1, 1]} : vector<17x128xf32> to vector<1x16xf32>
    %squeeze3A = vector.shape_cast %slice3A_7 : vector<1x16xf32> to vector<16xf32>
    %broadcast_in_dim3A = vector.shape_cast %squeeze3A : vector<16xf32> to vector<16x1xf32>
    %get3A_8 = arith.constant 0 : index
    %get3A_9 = arith.constant 0 : index
    %get3A_10 = vector.load %arg2[%get3A_8, %get3A_9] : memref<16x128xf32, #tpu.memory_space<vmem>>, vector<16x128xf32>
    %add3A_11 = vector.broadcast %broadcast_in_dim3A : vector<16x1xf32> to vector<16x128xf32>
    %add3A_12 = arith.addf %add3A_11, %get3A_10 : vector<16x128xf32>
    %max3A = arith.constant 1.000000e+00 : f32
    %max3A_13 = vector.broadcast %max3A : f32 to vector<16x128xf32>
    %max3A_14 = arith.maximumf %add3A_12, %max3A_13 : vector<16x128xf32>
    %div3A = arith.divf %add3A, %max3A_14 : vector<16x128xf32>
    %swap3A = arith.constant 0 : index
    %swap3A_15 = arith.constant 0 : index
    %swap3A_16 = vector.load %arg3[%swap3A, %swap3A_15] : memref<16x128xf32, #tpu.memory_space<vmem>>, vector<16x128xf32>
    tpu.vector_store %arg3[%swap3A, %swap3A_15], %div3A {strides = array<i32>} : memref<16x128xf32, #tpu.memory_space<vmem>>, vector<16x128xf32>,
    return
  }
}

module attributes {stable_mosaic.version = 14 : i64} {
  func.func @_tc_body(%arg0: i32, %arg1: memref<1x1x2048xi32, #tpu.memory_space<vmem>>, %arg2: memref<2048x128xf32, #tpu.memory_space<vmem>>, %arg3: memref<16x128xf32, #tpu.memory_space<vmem>>, %arg4: memref<16x128xf32, #tpu.memory_space<vmem>>, %arg5: memref<16x128xf32, #tpu.memory_space<vmem>>, %arg6: memref<16x128xf32, #tpu.memory_space<vmem>>) attributes {dimension_semantics = [#tpu.dimension_semantics<arbitrary>], iteration_bounds = array<i64: 7>, scalar_prefetch = 0 : i64, scratch_operands = 2 : i64, tpu.core_type = #tpu.core_type<tc>, window_params = [{transform_indices = @transform_0, window_bounds = array<i64: 1, 1, 2048>}, {transform_indices = @transform_1, window_bounds = array<i64: 2048, 128>}, {pipeline_mode = #tpu.pipeline_mode<synchronous>, transform_indices = @transform_2, window_bounds = array<i64: 16, 128>}, {pipeline_mode = #tpu.pipeline_mode<synchronous>, transform_indices = @transform_3, window_bounds = array<i64: 16, 128>}]} {
    %eq3A = arith.constant 0 : i32
    %eq3A_0 = arith.cmpi eq, %arg0, %eq3A : i32
    %convert_element_type3A = arith.extui %eq3A_0 : i1 to i32
    %cond3A = arith.constant 0 : i32
    %cond3A_1 = arith.cmpi ne, %convert_element_type3A, %cond3A : i32
    scf.if %cond3A_1 {
      %broadcast_in_dim3A_35 = arith.constant 0.000000e+00 : f32
      %broadcast_in_dim3A_36 = vector.broadcast %broadcast_in_dim3A_35 : f32 to vector<16x128xf32>
      %swap3A_37 = arith.constant 0 : index
      %swap3A_38 = arith.constant 0 : index
      %swap3A_39 = vector.load %arg5[%swap3A_37, %swap3A_38] : memref<16x128xf32, #tpu.memory_space<vmem>>, vector<16x128xf32>
      tpu.vector_store %arg5[%swap3A_37, %swap3A_38], %broadcast_in_dim3A_36 {strides = array<i32>} : memref<16x128xf32, #tpu.memory_space<vmem>>, vector<16x128xf32>,
      %broadcast_in_dim3A_40 = arith.constant 0.000000e+00 : f32
      %broadcast_in_dim3A_41 = vector.broadcast %broadcast_in_dim3A_40 : f32 to vector<16x128xf32>
      %swap3A_42 = arith.constant 0 : index
      %swap3A_43 = arith.constant 0 : index
      %swap3A_44 = vector.load %arg6[%swap3A_42, %swap3A_43] : memref<16x128xf32, #tpu.memory_space<vmem>>, vector<16x128xf32>
      tpu.vector_store %arg6[%swap3A_42, %swap3A_43], %broadcast_in_dim3A_41 {strides = array<i32>} : memref<16x128xf32, #tpu.memory_space<vmem>>, vector<16x128xf32>,
    } else {
    }
    %get3A = arith.constant 0 : index
    %get3A_2 = arith.constant 0 : index
    %get3A_3 = arith.constant 0 : index
    %get3A_4 = vector.load %arg1[%get3A, %get3A_2, %get3A_3] : memref<1x1x2048xi32, #tpu.memory_space<vmem>>, vector<1x1x2048xi32>
    %get3A_5 = vector.shape_cast %get3A_4 : vector<1x1x2048xi32> to vector<2048xi32>
    %iota3A = tpu.iota {dimensions = array<i32: 1>} : vector<2048x16xi32>
    %broadcast_in_dim3A = vector.shape_cast %get3A_5 : vector<2048xi32> to vector<2048x1xi32>
    %eq3A_6 = vector.broadcast %broadcast_in_dim3A : vector<2048x1xi32> to vector<2048x16xi32>
    %eq3A_7 = arith.cmpi eq, %eq3A_6, %iota3A : vector<2048x16xi32>
    %convert_element_type3A_8 = arith.extui %eq3A_7 : vector<2048x16xi1> to vector<2048x16xi32>
    %convert_element_type3A_9 = arith.sitofp %convert_element_type3A_8 : vector<2048x16xi32> to vector<2048x16xf32>
    %get3A_10 = arith.constant 0 : index
    %get3A_11 = arith.constant 0 : index
    %get3A_12 = vector.load %arg5[%get3A_10, %get3A_11] : memref<16x128xf32, #tpu.memory_space<vmem>>, vector<16x128xf32>
    %get3A_13 = arith.constant 0 : index
    %get3A_14 = arith.constant 0 : index
    %get3A_15 = vector.load %arg2[%get3A_13, %get3A_14] : memref<2048x128xf32, #tpu.memory_space<vmem>>, vector<2048x128xf32>
    %dot_general3A = arith.constant dense<0.000000e+00> : vector<16x128xf32>
    %dot_general3A_16 = tpu.matmul %convert_element_type3A_9, %get3A_15, %dot_general3A {dimension_numbers = #tpu.dot_dimension_numbers<[0], [0], [1], [1], [0, 1, 1, 1], [], []>, transpose_lhs_hint = false} : vector<2048x16xf32>, vector<2048x128xf32>, vector<16x128xf32> -> vector<16x128xf32>
    %add3A = arith.addf %get3A_12, %dot_general3A_16 : vector<16x128xf32>
    %swap3A = arith.constant 0 : index
    %swap3A_17 = arith.constant 0 : index
    %swap3A_18 = vector.load %arg5[%swap3A, %swap3A_17] : memref<16x128xf32, #tpu.memory_space<vmem>>, vector<16x128xf32>
    tpu.vector_store %arg5[%swap3A, %swap3A_17], %add3A {strides = array<i32>} : memref<16x128xf32, #tpu.memory_space<vmem>>, vector<16x128xf32>,
    %reduce_sum3A = arith.constant dense<0.000000e+00> : vector<16xf32>
    %reduce_sum3A_19 = vector.multi_reduction <add>, %convert_element_type3A_9, %reduce_sum3A [0] : vector<2048x16xf32> to vector<16xf32>
    %get3A_20 = arith.constant 0 : index
    %get3A_21 = arith.constant 0 : index
    %get3A_22 = vector.load %arg6[%get3A_20, %get3A_21] : memref<16x128xf32, #tpu.memory_space<vmem>>, vector<16x128xf32>
    %broadcast_in_dim3A_23 = vector.shape_cast %reduce_sum3A_19 : vector<16xf32> to vector<16x1xf32>
    %broadcast_in_dim3A_24 = vector.shape_cast %broadcast_in_dim3A_23 : vector<16x1xf32> to vector<16x1xf32>
    %broadcast_in_dim3A_25 = vector.broadcast %broadcast_in_dim3A_24 : vector<16x1xf32> to vector<16x128xf32>
    %add3A_26 = arith.addf %get3A_22, %broadcast_in_dim3A_25 : vector<16x128xf32>
    %swap3A_27 = arith.constant 0 : index
    %swap3A_28 = arith.constant 0 : index
    %swap3A_29 = vector.load %arg6[%swap3A_27, %swap3A_28] : memref<16x128xf32, #tpu.memory_space<vmem>>, vector<16x128xf32>
    tpu.vector_store %arg6[%swap3A_27, %swap3A_28], %add3A_26 {strides = array<i32>} : memref<16x128xf32, #tpu.memory_space<vmem>>, vector<16x128xf32>,
    %eq3A_30 = arith.constant 6 : i32
    %eq3A_31 = arith.cmpi eq, %arg0, %eq3A_30 : i32
    %convert_element_type3A_32 = arith.extui %eq3A_31 : i1 to i32
    %cond3A_33 = arith.constant 0 : i32
    %cond3A_34 = arith.cmpi ne, %convert_element_type3A_32, %cond3A_33 : i32
    scf.if %cond3A_34 {
      %get3A_35 = arith.constant 0 : index
      %get3A_36 = arith.constant 0 : index
      %get3A_37 = vector.load %arg5[%get3A_35, %get3A_36] : memref<16x128xf32, #tpu.memory_space<vmem>>, vector<16x128xf32>
      %swap3A_38 = arith.constant 0 : index
      %swap3A_39 = arith.constant 0 : index
      %swap3A_40 = vector.load %arg3[%swap3A_38, %swap3A_39] : memref<16x128xf32, #tpu.memory_space<vmem>>, vector<16x128xf32>
      tpu.vector_store %arg3[%swap3A_38, %swap3A_39], %get3A_37 {strides = array<i32>} : memref<16x128xf32, #tpu.memory_space<vmem>>, vector<16x128xf32>,
      %get3A_41 = arith.constant 0 : index
      %get3A_42 = arith.constant 0 : index
      %get3A_43 = vector.load %arg6[%get3A_41, %get3A_42] : memref<16x128xf32, #tpu.memory_space<vmem>>, vector<16x128xf32>
      %swap3A_44 = arith.constant 0 : index
      %swap3A_45 = arith.constant 0 : index
      %swap3A_46 = vector.load %arg4[%swap3A_44, %swap3A_45] : memref<16x128xf32, #tpu.memory_space<vmem>>, vector<16x128xf32>
      tpu.vector_store %arg4[%swap3A_44, %swap3A_45], %get3A_43 {strides = array<i32>} : memref<16x128xf32, #tpu.memory_space<vmem>>, vector<16x128xf32>,
    } else {
    }
    return
  }
  func.func @transform_0(%arg0: i32) -> (i32, i32, i32) {
    %add3A = arith.constant 9 : i32
    %add3A_0 = arith.addi %add3A, %arg0 : i32
    %c0_i32 = arith.constant 0 : i32
    %c0_i32_1 = arith.constant 0 : i32
    %c0_i32_2 = arith.constant 0 : i32
    return %add3A_0, %c0_i32, %c0_i32_1 : i32, i32, i32
  }
  func.func @transform_1(%arg0: i32) -> (i32, i32) {
    %add3A = arith.constant 9 : i32
    %add3A_0 = arith.addi %add3A, %arg0 : i32
    %c0_i32 = arith.constant 0 : i32
    %c0_i32_1 = arith.constant 0 : i32
    return %add3A_0, %c0_i32 : i32, i32
  }
  func.func @transform_2(%arg0: i32) -> (i32, i32) {
    %c0_i32 = arith.constant 0 : i32
    %c0_i32_0 = arith.constant 0 : i32
    %c0_i32_1 = arith.constant 0 : i32
    return %c0_i32, %c0_i32_0 : i32, i32
  }
  func.func @transform_3(%arg0: i32) -> (i32, i32) {
    %c0_i32 = arith.constant 0 : i32
    %c0_i32_0 = arith.constant 0 : i32
    %c0_i32_1 = arith.constant 0 : i32
    return %c0_i32, %c0_i32_0 : i32, i32
  }
}

</mosaic_0001>

<sc_bundles>
// kernel: kernel.5.cloned.1.call-start
scs
__scs_entry_jumppad:
0x0: {  	(pc) =	sbr.rel $0x88, $3  }
0x1: {  	(tag) =	ssettag $0x0;
	lr =	simm.s32 $0x1  }
0x2: {  	[smem:$0x3F9F] =	sst lr;
	_ =	strace $0xD0000000  }
0x3: {  	_ = 	snop  }
0x4: {  	_ = 	snop  }
0x5: {  	_ = 	snop  }
0x6: {  	_ = 	snop  }
0x7: {  	_ = 	snop  }
__scs_overlays_trampoline_lowered:
0x8: {  	[smem:$0x3FAE] =	sst s0  }
0x9: {  	[smem:$0x3FAF] =	sst s1  }
0xa: {  	[smem:$0x3FB0] =	sst s2  }
0xb: {  	[smem:$0x3FB1] =	sst s3  }
0xc: {  	[smem:$0x3FB2] =	sst s4  }
0xd: {  	[smem:$0x3FB3] =	sst s5  }
0xe: {  	[smem:$0x3FB4] =	sst s6  }
0xf: {  	[smem:$0x3FB5] =	sst s7  }
0x10: {  	[smem:$0x3FB6] =	sst s8  }
0x11: {  	[smem:$0x3FB7] =	sst s9;
	s0 =	simm.s32 @!p0 $0x0  }
0x12: {  	s1 =	sld [smem:$0x3F9D];
	s0 =	simm.s32 @p0 $0x1  }
0x13: {  	[smem:$0x3FB8] =	sst s0;
	s0 =	simm.s32 @!p1 $0x0  }
0x14: {  	s2 =	sld [smem:$0x3F9C];
	s0 =	simm.s32 @p1 $0x1  }
0x15: {  	[smem:$0x3FB9] =	sst s0;
	s0 =	simm.s32 @!p2 $0x0  }
0x16: {  	s3 =	sld [smem:$0x3FDB];
	s0 =	simm.s32 @p2 $0x1  }
0x17: {  	s4 =	simm.s32 $0x1BF5;
	[smem:$0x3FBB] =	sst s0  }
0x18: {  	s0 =	sld [smem:$0x3F9E];
	_ =	swait.ge [sflag:s4], $0x0  }
0x19: {  	s7 =	sld [smem:$0x3F9F]  }
0x1a: {  	s8 =	sadd.s32 $0xFFFFE003, lr  }
0x1b: {  	s9 =	sadd.s32 $0xFFFFFEF7, lr;
	s5 =	simm.s32 $0xFFFFFFFF;
	p2 =	slt.u32 s8, $0xFFFFF086  }
0x1c: {  	p1 =	slt.u32 s9, $0xF7A;
	s5 =	simm.s32 @!p2 $0x0  }
0x1d: {  	s5 =	simm.s32 @p1 $0x1;
	p0 =	seq.s32 s7, s2  }
0x1e: {  	s7 =	smul.u32 @!p0 $0xF7A, s2;
	p2 =	seq.s32 @!p0 s5, $0x0  }
0x1f: {  	s9 =	smul.u32 $0xF7A, s1;
	s8 =	simm.s32 @!p0 $0x1BF5;
	p2 =	por !p2, p0  }
0x20: {  	[sflag:s8] =	ssyncset.s32 @!p0 $0xFFFFF086;
	s6 =	sadd.s32 @!p0 s3, s7;
	s7 =	simm.s32 @!p0 $0x108  }
0x21: {  	s3 =	sadd.s32 s3, s9;
	s6 =	sadd.s32 @!p0 $0x88, s6;
	s7 =	simm.s32 @p2 $0x1082  }
0x22: {  	[simem:s7], [sflag:s8] =	dma.local @!p0 [hbm:s6], $0xF7A  }
0x23: {  	s9 =	sor.u32 $0xD0000000, s2;
	s6 =	simm.s32 $0x108;
	_ =	swait.ge @!p0 [sflag:s8], $0x0  }
0x24: {  	s3 =	sadd.s32 $0x88, s3;
	s6 =	simm.s32 @!p1 $0x1082;
	[sflag:s4] =	ssyncset.s32 $0xFFFFF086  }
0x25: {  	[simem:s6], [sflag:s4] =	dma.local [hbm:s3], $0xF7A  }
0x26: {  	[smem:$0x3F9F] =	sst s1;
	(tag) =	ssettag s2;
	_ =	strace s9  }
0x27: {  	s1 =	sld [smem:$0x3FAF]  }
0x28: {  	s2 =	sld [smem:$0x3FB0]  }
0x29: {  	s4 =	sld [smem:$0x3FB2]  }
0x2a: {  	p0 =	seq.s32 s5, $0x0;
	s5 =	sld [smem:$0x3FB3]  }
0x2b: {  	s6 =	sld [smem:$0x3FB4]  }
0x2c: {  	s7 =	sld [smem:$0x3FB5]  }
0x2d: {  	s3 =	simm.s32 $0x108;
	s8 =	sld [smem:$0x3FB6]  }
0x2e: {  	s3 =	simm.s32 @!p0 $0x1082;
	s9 =	sld [smem:$0x3FB7]  }
0x2f: {  	lr =	sadd.s32 s0, s3;
	s0 =	sld [smem:$0x3FAE]  }
0x30: {  	s3 =	sld [smem:$0x3FB1]  }
0x31: {  	[smem:$0x3FBA] =	sst s10  }
0x32: {  	s10 =	sld [smem:$0x3FB8];
	_ =	sdelay $0x3  }
0x33: {  	p0 =	seq.s32 s10, $0x1;
	s10 =	sld [smem:$0x3FBA];
	_ =	sdelay $0x3  }
0x34: {  	[smem:$0x3FBA] =	sst s10  }
0x35: {  	s10 =	sld [smem:$0x3FB9];
	_ =	sdelay $0x3  }
0x36: {  	p1 =	seq.s32 s10, $0x1;
	s10 =	sld [smem:$0x3FBA];
	_ =	sdelay $0x3  }
0x37: {  	[smem:$0x3FBA] =	sst s10  }
0x38: {  	s10 =	sld [smem:$0x3FBB]  }
0x39: {  	_ = 	snop;
	(pc) =	sbr.ind lr, $3  }
0x3a: {  	_ = 	snop  }
0x3b: {  	_ = 	snop  }
0x3c: {  	p2 =	seq.s32 s10, $0x1;
	s10 =	sld [smem:$0x3FBA]  }
0x3d: {  	_ =	shalt  }
0x3e: {  	_ =	shalt  }
0x3f: {  	_ =	shalt  }
0x40: {  	_ =	shalt  }
0x41: {  	_ =	shalt  }
0x42: {  	_ =	shalt  }
0x43: {  	_ =	shalt  }
0x44: {  	_ =	shalt  }
0x45: {  	_ =	shalt  }
0x46: {  	_ =	shalt  }
0x47: {  	_ =	shalt  }
0x48: {  	_ =	shalt  }
0x49: {  	_ =	shalt  }
0x4a: {  	_ =	shalt  }
0x4b: {  	_ =	shalt  }
0x4c: {  	_ =	shalt  }
0x4d: {  	_ =	shalt  }
0x4e: {  	_ =	shalt  }
0x4f: {  	_ =	shalt  }
0x50: {  	_ =	shalt  }
0x51: {  	_ =	shalt  }
0x52: {  	_ =	shalt  }
0x53: {  	_ =	shalt  }
0x54: {  	_ =	shalt  }
0x55: {  	_ =	shalt  }
0x56: {  	_ =	shalt  }
0x57: {  	_ =	shalt  }
0x58: {  	_ =	shalt  }
0x59: {  	_ =	shalt  }
0x5a: {  	_ =	shalt  }
0x5b: {  	_ =	shalt  }
0x5c: {  	_ =	shalt  }
0x5d: {  	_ =	shalt  }
0x5e: {  	_ =	shalt  }
0x5f: {  	_ =	shalt  }
0x60: {  	_ =	shalt  }
0x61: {  	_ =	shalt  }
0x62: {  	_ =	shalt  }
0x63: {  	_ =	shalt  }
0x64: {  	_ =	shalt  }
0x65: {  	_ =	shalt  }
0x66: {  	_ =	shalt  }
0x67: {  	_ =	shalt  }
0x68: {  	_ =	shalt  }
0x69: {  	_ =	shalt  }
0x6a: {  	_ =	shalt  }
0x6b: {  	_ =	shalt  }
0x6c: {  	_ =	shalt  }
0x6d: {  	_ =	shalt  }
0x6e: {  	_ =	shalt  }
0x6f: {  	_ =	shalt  }
0x70: {  	_ =	shalt  }
0x71: {  	_ =	shalt  }
0x72: {  	_ =	shalt  }
0x73: {  	_ =	shalt  }
0x74: {  	_ =	shalt  }
0x75: {  	_ =	shalt  }
0x76: {  	_ =	shalt  }
0x77: {  	_ =	shalt  }
0x78: {  	_ =	shalt  }
0x79: {  	_ =	shalt  }
0x7a: {  	_ =	shalt  }
0x7b: {  	_ =	shalt  }
0x7c: {  	_ =	shalt  }
0x7d: {  	_ =	shalt  }
0x7e: {  	_ =	shalt  }
0x7f: {  	_ =	shalt  }
0x80: {  	_ =	shalt  }
0x81: {  	_ =	shalt  }
0x82: {  	_ =	shalt  }
0x83: {  	_ =	shalt  }
0x84: {  	_ =	shalt  }
0x85: {  	_ =	shalt  }
0x86: {  	_ =	shalt  }
0x87: {  	_ =	shalt  }
.Lfunc_end0:
.L_simem_size_0:
called_computation_lowered:
.L_overlay_start_0:
0x88: {  	s2 =	sld [smem:$0x3FD9]  }
0x89: {  	s3 =	sld [smem:$0x3FFE];
	_ =	sdelay $0x1  }
0x8a: {  	s1 =	srdreg.scid  }
0x8b: {  	s0 =	sand.u32 $0x1, s1  }
0x8c: {  	s17 =	sshll.u32 s0, $0xA;
	s2 =	sadd.s32 s3, s2  }
0x8d: {  	s2 =	sadd.s32 s2, s17  }
0x8e: {  	[smem:$0x3FC6] =	sst s2  }
0x8f: {  	_ = 	snop  }
0x90: {  	s2 =	sld [smem:$0x3FC9]  }
0x91: {  	s18 =	sld [smem:$0x3FC8];
	(tm) =	ssettm $0x1  }
0x92: {  	s4 =	sld [smem:$0x3FFB];
	_ =	sdelay $0x3  }
0x93: {  	_ =	strace s4  }
0x94: {  	s4 =	sld [smem:$0x3FFC];
	_ =	sdelay $0x3  }
0x95: {  	_ =	strace s4  }
0x96: {  	s4 =	sld [smem:$0x3FFD];
	_ =	sdelay $0x3  }
0x97: {  	_ =	strace s4  }
0x98: {  	_ =	strace $0x8FFFFFFF  }
0x99: {  	s19 =	sld [smem:$0x3FDB];
	_ =	sdelay $0x1  }
0x9a: {  	s5 =	simm.s32 $_scs_section_size  }
0x9b: {  	s6 =	simm.s32 $_size__tile_overlayer_lowered;
	s7 =	simm.s32 $_tile_overlayer_lowered  }
0x9c: {  	s22 =	simm.s32 $0x1BFF;
	s21 =	sshll.u32 s7, $0x1;
	s4 =	sadd.s32 s5, s19  }
0x9d: {  	s8 =	simm.s32 $0x0;
	s20 =	sshll.u32 s6, $0x1;
	s6 =	sadd.s32 s21, s4  }
0x9e: {  	[timem:s8], [sflag:s22] =	dma.local [hbm:s6], s20  }
0x9f: {  	_ =	swait.ge [sflag:s22], s20  }
0xa0: {  	s5 =	ssub.s32 $0x0, s20;
	[sflag:s22] =	ssyncset.done $0x0  }
0xa1: {  	[sflag:s22] =	ssyncadd.s32 s5;
	_ =	sdelay $0x1  }
0xa2: {  	s23 =	simm.s32 $0x1B8B  }
0xa3: {  	_ =	swait.ge [sflag:s23], $0x1  }
0xa4: {  	[sflag:s23] =	ssyncset.done $0x0  }
0xa5: {  	s25 =	simm.s32 $0x1B8E;
	s24 =	sld [smem:$0x3FFE];
	[sflag:s23] =	ssyncadd.s32 $0xFFFFFFFF  }
0xa6: {  	s26 =	simm.s32 $execute0_lowered;
	[smem:$0x3FD2] =	sst s25  }
0xa7: {  	s6 =	sshll.u32 s26, $0x1;
	_ =	strace $0x80000046;
	[dreg:$0x1] =	wrdreg $0xFFFFFFFF  }
0xa8: {  	s28 =	simm.s32 $_size_execute0_lowered;
	s4 =	sadd.s32 s4, s6;
	[dreg:$0x0] =	wrdreg $0x0  }
0xa9: {  	s6 =	sshll.u32 s28, $0x1;
	[dreg:$0x2] =	wrdreg s4  }
0xaa: {  	[dreg:$0x3] =	wrdreg s6  }
0xab: {  	[dreg:$0x4] =	wrdreg $0xC0  }
0xac: {  	_ =	task [dreg:s8], $0x5FFFF  }
0xad: {  	[dreg:$0x1] =	wrdreg $0xFFFFFFFF  }
0xae: {  	[dreg:$0x0] =	wrdreg $0x60  }
0xaf: {  	[dreg:$0x2] =	wrdreg s2  }
0xb0: {  	[dreg:$0x3] =	wrdreg s18  }
0xb1: {  	[dreg:$0x4] =	wrdreg s24  }
0xb2: {  	[dreg:$0x5] =	wrdreg $0x9  }
0xb3: {  	_ =	task.clear_ibuf [dreg:s8], $0x6FFFF;
	_ =	strace $0x90000046  }
0xb4: {  	s29 =	simm.s32 $0x9;
	_ =	strace $0x80000048  }
0xb5: {  	_ =	swait.ge [sflag:s29], $0x1  }
0xb6: {  	[sflag:s29] =	ssyncadd.s32 $0xFFFFFFFF  }
0xb7: {  	_ =	strace $0x90000048  }
0xb8: {  	_ =	sfence  }
0xb9: {  	s30 =	sld [smem:$0x0];
	_ =	sdelay $0x2  }
0xba: {  	s31 =	sshll.u32 s1, $0xD;
	s1 =	sshrl.u32 s1, $0x2  }
0xbb: {  	s3 =	sand.u32 $0x4000, s31;
	s1 =	sadd.s32 s1, s30  }
0xbc: {  	s0 =	sor.u32 s3, s0;
	s1 =	sshll.u32 s1, $0x11  }
0xbd: {  	s0 =	sor.u32 s1, s0  }
0xbe: {  	s0 =	sadd.s32 $0x8F2B, s0  }
0xbf: {  	[sflag:s0] =	ssyncadd.remote.s32 $0x1  }
0xc0: {  	_ =	sfence.sel $0xFFFF  }
0xc1: {  	[dreg:$0x0] =	wrdreg $0xFFFFFFFF;
	(pc) =	sbr.abs _section_cstart, $3  }
0xc2: {  	[dreg:$0x1] =	wrdreg $0xFFFFFFFF  }
0xc3: {  	_ =	task.clear_ibuf [dreg:s8], $0x2FFFF;
	_ =	strace $0x9FFFFFFF  }
0xc4: {  	(tm) =	ssettm $0x7FFFFFFF  }
0xc5: {  	_ =	shalt  }
tec
execute0_lowered:
.L_overlay_start_1:
0x0: {  	(tag) =	ssettag $0x1  }
0x1: {  	s3 =	rddreg [dreg:$0x0];
	s1 =	srdreg.scid  }
0x2: {  	s0 =	stileid.u32;
	s5 =	rddreg [dreg:$0x1]  }
0x3: {  	s6 =	rddreg [dreg:$0x2];
	s4 =	sand.u32 $0x1, s1;
	s30 =	sshll.u32 s0, $0x1  }
0x4: {  	s2 =	simm.s32 $0x0;
	s11 =	simm.s32 $0x280;
	s7 =	sor.u32 s4, s30  }
0x5: {  	s12 =	simm.s32 $0x240;
	s13 =	simm.s32 $0x1;
	s8 =	smul.u32 $0x180, s7  }
0x6: {  	s14 =	simm.s32 $0x2;
	s15 =	simm.s32 $0x300;
	s9 =	smul.u32 $0x12000, s7  }
0x7: {  	s16 =	simm.s32 $0x0;
	s1 =	rddreg [dreg:$0x3];
	s31 =	smul.u32 $0x2400, s7  }
0x8: {  	[smem:$0x7FF] =	sst s2;
	s4 =	ssub.s32 $0x2, s4;
	s7 =	smul.u32 $0x48, s7  }
.Ltmp0:
0x9: {  	_ =	strace $0x80000047;
	s10 =	sshrl.u32 s4, $0x1;
	(pc) =	sbr.rel .LBB2_1-.Ltmp0, $4  }
0xa: {  	s10 =	ssub.s32 s4, s10;
	s6 =	sadd.s32 s8, s6;
	s9 =	sshrl.u32 s9, $0x3  }
0xb: {  	v0 =	vimm.f32 $0.0e+00;
	s5 =	sadd.s32 s5, s7;
	s7 =	smax.u32 s10, $0x1;
	s8 =	simm.s32 $0xF00  }
0xc: {  	v1 =	vimm.s32 $0x120;
	v2 =	vlaneseq.u32;
	v3 =	vimm.s32 $0x0;
	s10 =	simm.s32 $0x3;
	s9 =	sadd.s32 s3, s9;
	s3 =	sadd.s32 s3, s31  }
0xd: {  	v4 =	vimm.s32 $0x240;
	v5 =	vimm.s32 $0x90;
	v6 =	vadd.s32 $0x1, v2;
	s6 =	sadd.s32 $0x800, s6;
	s4 =	sadd.s32 $0x1200, s9;
	s9 =	simm.s32 $0x9F00  }
.LBB2_21:
0xe: {  	s16 =	sadd.s32 $0x1, s16  }
0xf: {  	p0 =	sne.s32 s16, s7  }
.Ltmp1:
0x10: {  	_ = 	snop;
	(pc) =	sbr.rel @!p0 .LBB2_22-.Ltmp1, $4  }
0x11: {  	[hbm4b:s6+s2] =	stream.linear.scatter [tilespmem:s15], [sflag:$0x3], $0x880, $0x38;
	[tilespmem:$0x12F00] =	vst v63  }
0x12: {  	_ =	swait.ge [sflag:s10], $0x880  }
0x13: {  	[sflag:s10] =	ssyncset.done $0x0  }
0x14: {  	[sflag:s10] =	ssyncadd.s32 $0xFFFFF780  }
.LBB2_1:
0x15: {  	[tilespmem:s8], [sflag:$0x1] =	stream.linear.gather [hbm4b:s3+s2], $0x9000, $0x38;
	[tilespmem:$0x12F00] =	vst v63  }
0x16: {  	_ = 	snop  }
0x17: {  	[tilespmem:s9], [sflag:$0x2] =	stream.linear.gather [hbm4b:s4+s2], $0x9000, $0x38;
	[tilespmem:$0x12F00] =	vst v63  }
0x18: {  	_ = 	snop  }
0x19: {  	[tilespmem:s2], [sflag:$0x3] =	stream.linear.gather [hbm4b:s5+s2], $0x240, $0x38;
	[tilespmem:$0x12F00] =	vst v63  }
0x1a: {  	_ =	swait.ge [sflag:s10], $0x240  }
0x1b: {  	[sflag:s10] =	ssyncset.done $0x0  }
0x1c: {  	s17 =	simm.s32 $0x0;
	s18 =	simm.s32 $0x200;
	[sflag:s10] =	ssyncadd.s32 $0xFFFFFDC0  }
.LBB2_2:
0x1d: {  	p0 =	sne.s32 s18, $0x2000;
	[tilespmem:s17+$0x370] =	vst v0  }
0x1e: {  	[tilespmem:s17+$0x300] =	vst v0  }
0x1f: {  	[tilespmem:s17+$0x310] =	vst v0  }
.Ltmp2:
0x20: {  	[tilespmem:s17+$0x320] =	vst v0;
	(pc) =	sbr.rel @p0 .LBB2_2-.Ltmp2, $4  }
0x21: {  	[tilespmem:s17+$0x330] =	vst v0  }
0x22: {  	[tilespmem:s17+$0x340] =	vst v0  }
0x23: {  	[tilespmem:s17+$0x350] =	vst v0  }
0x24: {  	[tilespmem:s17+$0x360] =	vst v0;
	s17 =	sshra.s32 s18, $0x2;
	s18 =	sadd.s32 $0x200, s18  }
0x25: {  	[tilespmem:s17+$0x370] =	vst v0  }
0x26: {  	[tilespmem:s17+$0x300] =	vst v0  }
0x27: {  	[tilespmem:s17+$0x310] =	vst v0  }
0x28: {  	[tilespmem:s17+$0x320] =	vst v0  }
0x29: {  	[tilespmem:s17+$0x330] =	vst v0  }
0x2a: {  	[tilespmem:s17+$0x340] =	vst v0  }
0x2b: {  	[tilespmem:s17+$0x350] =	vst v0  }
0x2c: {  	[tilespmem:s17+$0x360] =	vst v0;
	s18 =	simm.s32 $0x0  }
0x2d: {  	v7 =	vld.idx.msk [tilespmem:v1+s18+$0x0], $0xffff;
	_ =	sdelay $0x4  }
0x2e: {  	vm0 =	vlt.s32 v7, v2  }
0x2f: {  	v7 =	vsel vm0, $0x1B0, v5;
	_ =	sdelay $0x4  }
0x30: {  	v8 =	vld.idx.msk [tilespmem:v7+s18+$0x0], $0xffff;
	_ =	sdelay $0x4  }
0x31: {  	v9 =	vsel vm0, $0x240, v1;
	vm1 =	vlt.s32 v8, v2  }
0x32: {  	v10 =	vor.u32 $0x1, v7;
	v8 =	vsel vm0, $0x121, v3;
	v7 =	vsel vm1, v9, v7  }
0x33: {  	v8 =	vsel vm1, v10, v8;
	v9 =	vadd.s32 $0xFFFFFFFF, v7  }
0x34: {  	v10 =	vxor.u32 v9, v8  }
0x35: {  	v9 =	vor.u32 v9, v8;
	v10 =	vshrl.u32 v10, $0x1  }
0x36: {  	v9 =	vsub.s32 v9, v10;
	_ =	sdelay $0x4  }
0x37: {  	v10 =	vld.idx.msk [tilespmem:v9+s18+$0x0], $0xffff;
	_ =	sdelay $0x4  }
0x38: {  	v51 =	vor.u32 $0x1, v9;
	vm8 =	vlt.s32 v10, v2  }
0x39: {  	v8 =	vsel vm8, v51, v8;
	v7 =	vsel vm8, v7, v9  }
0x3a: {  	v9 =	vxor.u32 v8, v7  }
0x3b: {  	v10 =	vand.u32 v8, v7;
	v9 =	vshrl.u32 v9, $0x1  }
0x3c: {  	v9 =	vadd.s32 v9, v10;
	_ =	sdelay $0x4  }
0x3d: {  	v10 =	vld.idx.msk [tilespmem:v9+s18+$0x0], $0xffff;
	_ =	sdelay $0x4  }
0x3e: {  	v52 =	vadd.s32 $0x1, v9;
	vm9 =	vlt.s32 v10, v2  }
0x3f: {  	v8 =	vsel vm9, v52, v8;
	v7 =	vsel vm9, v7, v9  }
0x40: {  	v9 =	vadd.s32 v8, v7  }
0x41: {  	v9 =	vshrl.u32 v9, $0x1;
	_ =	sdelay $0x4  }
0x42: {  	v53 =	vld.idx.msk [tilespmem:v9+s18+$0x0], $0xffff;
	_ =	sdelay $0x4  }
0x43: {  	v54 =	vadd.s32 $0x1, v9;
	vm10 =	vlt.s32 v53, v2  }
0x44: {  	v8 =	vsel vm10, v54, v8;
	v7 =	vsel vm10, v7, v9  }
0x45: {  	v9 =	vadd.s32 v8, v7  }
0x46: {  	v9 =	vshrl.u32 v9, $0x1;
	_ =	sdelay $0x4  }
0x47: {  	v55 =	vld.idx.msk [tilespmem:v9+s18+$0x0], $0xffff;
	_ =	sdelay $0x4  }
0x48: {  	v56 =	vadd.s32 $0x1, v9;
	vm11 =	vlt.s32 v55, v2  }
0x49: {  	v8 =	vsel vm11, v56, v8;
	v7 =	vsel vm11, v7, v9  }
0x4a: {  	v9 =	vadd.s32 v8, v7  }
0x4b: {  	v9 =	vshrl.u32 v9, $0x1;
	_ =	sdelay $0x4  }
0x4c: {  	v57 =	vld.idx.msk [tilespmem:v9+s18+$0x0], $0xffff;
	_ =	sdelay $0x4  }
0x4d: {  	v58 =	vadd.s32 $0x1, v9;
	vm12 =	vlt.s32 v57, v2  }
0x4e: {  	v8 =	vsel vm12, v58, v8;
	v7 =	vsel vm12, v7, v9  }
0x4f: {  	v9 =	vadd.s32 v8, v7  }
0x50: {  	v9 =	vshrl.u32 v9, $0x1;
	_ =	sdelay $0x4  }
0x51: {  	v59 =	vld.idx.msk [tilespmem:v9+s18+$0x0], $0xffff;
	_ =	sdelay $0x4  }
0x52: {  	v60 =	vadd.s32 $0x1, v9;
	vm13 =	vlt.s32 v59, v2  }
0x53: {  	v8 =	vsel vm13, v60, v8;
	v7 =	vsel vm13, v7, v9  }
0x54: {  	v9 =	vadd.s32 v8, v7  }
0x55: {  	v9 =	vshrl.u32 v9, $0x1;
	_ =	sdelay $0x4  }
0x56: {  	v61 =	vld.idx.msk [tilespmem:v9+s18+$0x0], $0xffff;
	_ =	sdelay $0x4  }
0x57: {  	v62 =	vadd.s32 $0x1, v9;
	vm14 =	vlt.s32 v61, v2  }
0x58: {  	v8 =	vsel vm14, v62, v8;
	v7 =	vsel vm14, v7, v9  }
0x59: {  	v7 =	vadd.s32 v8, v7  }
0x5a: {  	v7 =	vshrl.u32 v7, $0x1;
	_ =	sdelay $0x4  }
0x5b: {  	v63 =	vld.idx.msk [tilespmem:v7+s18+$0x0], $0xffff;
	_ =	sdelay $0x4  }
0x5c: {  	v7 =	vadd.s32 $0x1, v7;
	vm15 =	vlt.s32 v63, v2  }
0x5d: {  	v7 =	vsel vm15, v7, v8  }
0x5e: {  	(v2sf) =	vpush v7, $0x0  }
0x5f: {  	(v2sf) =	vpush v7, $0x1  }
0x60: {  	(v2sf) =	vpush v7, $0x2  }
0x61: {  	(v2sf) =	vpush v7, $0x3  }
0x62: {  	(v2sf) =	vpush v7, $0x4  }
0x63: {  	(v2sf) =	vpush v7, $0x5  }
0x64: {  	(v2sf) =	vpush v7, $0x6  }
0x65: {  	(v2sf) =	vpush v7, $0x7  }
0x66: {  	(v2sf) =	vpush v7, $0x8  }
0x67: {  	(v2sf) =	vpush v7, $0x9  }
0x68: {  	(v2sf) =	vpush v7, $0xA  }
0x69: {  	(v2sf) =	vpush v7, $0xB  }
0x6a: {  	(v2sf) =	vpush v7, $0xC  }
0x6b: {  	(v2sf) =	vpush v7, $0xD  }
0x6c: {  	(v2sf) =	vpush v7, $0xE  }
0x6d: {  	s17 =	spop (v2sf);
	(v2sf) =	vpush v7, $0xF  }
0x6e: {  	s19 =	spop (v2sf);
	[smem:$0x0] =	sst s17  }
0x6f: {  	[smem:$0x1] =	sst s19;
	s29 =	spop (v2sf)  }
0x70: {  	[smem:$0x2] =	sst s29;
	s30 =	spop (v2sf)  }
0x71: {  	[smem:$0x3] =	sst s30;
	s31 =	spop (v2sf)  }
0x72: {  	[smem:$0x4] =	sst s31;
	s20 =	spop (v2sf)  }
0x73: {  	[smem:$0x5] =	sst s20;
	s21 =	spop (v2sf)  }
0x74: {  	[tilespmem:$0x290] =	vst v4;
	[smem:$0x6] =	sst s21;
	s22 =	spop (v2sf)  }
0x75: {  	[tilespmem:$0x280] =	vst v7;
	[smem:$0x7] =	sst s22;
	s23 =	spop (v2sf)  }
0x76: {  	v8 =	vld.idx.msk [tilespmem:v6+s11+$0x0], $0xffff;
	[smem:$0x8] =	sst s23;
	s24 =	spop (v2sf)  }
0x77: {  	[smem:$0x9] =	sst s24;
	s25 =	spop (v2sf)  }
0x78: {  	[smem:$0xA] =	sst s25;
	s26 =	spop (v2sf)  }
0x79: {  	[smem:$0xB] =	sst s26;
	s28 =	spop (v2sf)  }
0x7a: {  	[smem:$0xC] =	sst s28;
	s29 =	spop (v2sf)  }
0x7b: {  	v7 =	vsub.s32 v8, v7;
	[smem:$0xD] =	sst s29;
	s30 =	spop (v2sf)  }
0x7c: {  	v7 =	vcvt.s32.f32 v7;
	[smem:$0xE] =	sst s30;
	s31 =	spop (v2sf)  }
.Ltmp3:
0x7d: {  	[smem:$0xF] =	sst s31;
	(pc) =	sbr.rel .LBB2_4-.Ltmp3, $4  }
0x7e: {  	[tilespmem:$0xB00] =	vst v7;
	[smem:$0x10] =	sst s12  }
0x7f: {  	_ =	swait.ge [sflag:s13], $0x9000  }
0x80: {  	[sflag:s13] =	ssyncset.done $0x0  }
0x81: {  	s19 =	smov.u32 s17;
	[sflag:s13] =	ssyncadd.s32 $0xFFFF7000  }
.LBB2_6:
0x82: {  	v13 =	vimm.f32 $0.0e+00;
	v17 =	vimm.f32 $0.0e+00  }
0x83: {  	v18 =	vimm.f32 $0.0e+00;
	v20 =	vimm.f32 $0.0e+00;
	v8 =	vimm.f32 $0.0e+00  }
0x84: {  	v10 =	vimm.f32 $0.0e+00;
	v11 =	vimm.f32 $0.0e+00;
	v12 =	vimm.f32 $0.0e+00  }
.LBB2_10:
0x85: {  	v21 =	vld [tilespmem:s20+$0xFFFFFFD0]  }
0x86: {  	v22 =	vld [tilespmem:s20+$0xFFFFFFE0]  }
0x87: {  	v23 =	vld [tilespmem:s20+$0xFFFFFFF0]  }
0x88: {  	v24 =	vld [tilespmem:s20+$0x0]  }
0x89: {  	v25 =	vld [tilespmem:s20+$0x10]  }
0x8a: {  	v26 =	vld [tilespmem:s20+$0xFFFFFFC0];
	s21 =	sshll.u32 s18, $0x7  }
0x8b: {  	v27 =	vld [tilespmem:s20+$0x20];
	s31 =	sand.u32 $0x3FFFFF80, s21  }
0x8c: {  	v19 =	vadd.f32 @p0 v19, v20;
	v53 =	vld [tilespmem:s31+$0x300]  }
0x8d: {  	v28 =	vld [tilespmem:s31+$0x310]  }
0x8e: {  	v13 =	vadd.f32 @p0 v16, v13;
	v54 =	vpsel p0, v19, v7;
	v55 =	vld [tilespmem:s31+$0x320]  }
0x8f: {  	v14 =	vadd.f32 @p0 v14, v17;
	v56 =	vld [tilespmem:s31+$0x330];
	v16 =	vadd.f32 v26, v54  }
0x90: {  	v15 =	vadd.f32 @p0 v15, v18;
	v57 =	vld [tilespmem:s31+$0x340];
	v10 =	vadd.f32 v21, v10  }
0x91: {  	v58 =	vld [tilespmem:s31+$0x350];
	v11 =	vadd.f32 v22, v11;
	v16 =	vadd.f32 v53, v16  }
0x92: {  	v13 =	vpsel p0, v13, v7;
	v59 =	vld [tilespmem:s31+$0x360];
	v12 =	vadd.f32 v23, v12;
	v10 =	vadd.f32 v28, v10  }
0x93: {  	v14 =	vpsel p0, v14, v7;
	v60 =	vld [tilespmem:s31+$0x370];
	v13 =	vadd.f32 v24, v13;
	v11 =	vadd.f32 v55, v11;
	[tilespmem:s31+$0x300] =	vst v16  }
0x94: {  	v7 =	vpsel p0, v15, v7;
	v14 =	vadd.f32 v25, v14;
	v61 =	vadd.f32 v56, v12;
	[tilespmem:s31+$0x310] =	vst v10  }
0x95: {  	v7 =	vadd.f32 v27, v7;
	v62 =	vadd.f32 v57, v13;
	[tilespmem:s31+$0x320] =	vst v11  }
0x96: {  	v8 =	vadd.f32 v9, v8;
	v63 =	vadd.f32 v58, v14;
	[tilespmem:s31+$0x330] =	vst v61  }
0x97: {  	v7 =	vadd.f32 v59, v7;
	[tilespmem:s31+$0x340] =	vst v62  }
0x98: {  	v8 =	vadd.f32 v60, v8;
	[tilespmem:s31+$0x350] =	vst v63  }
0x99: {  	[tilespmem:s31+$0x360] =	vst v7  }
0x9a: {  	[tilespmem:s31+$0x370] =	vst v8  }
.LBB2_11:
0x9b: {  	s18 =	sadd.s32 $0x1, s18  }
0x9c: {  	p0 =	sne.s32 s18, $0x10  }
.Ltmp4:
0x9d: {  	_ = 	snop;
	(pc) =	sbr.rel @!p0 .LBB2_12-.Ltmp4, $1  }
0x9e: {  	_ =	sdelay $0x3  }
.LBB2_4:
0x9f: {  	p0 =	sgt.s32 s19, $0x0;
	s20 =	smov.u32 s19;
	s19 =	sld [smem:s18+$0x1]  }
0xa0: {  	_ =	sdelay $0x1  }
0xa1: {  	p1 =	slt.s32 s19, $0x120;
	s21 =	smov.u32 s19  }
0xa2: {  	s20 =	simm.s32 @!p0 $0x0;
	s21 =	simm.s32 @!p1 $0x120  }
0xa3: {  	p0 =	sle.s32 s21, s20  }
.Ltmp5:
0xa4: {  	_ = 	snop;
	(pc) =	sbr.rel @p0 .LBB2_11-.Ltmp5, $1  }
0xa5: {  	_ =	sdelay $0x3  }
0xa6: {  	s21 =	ssub.s32 s21, s20  }
0xa7: {  	p1 =	sne.s32 s21, $0x1  }
.Ltmp6:
0xa8: {  	_ = 	snop;
	(pc) =	sbr.rel @!p1 .LBB2_6-.Ltmp6, $4  }
0xa9: {  	s22 =	sshll.u32 s20, $0x9  }
0xaa: {  	s31 =	sshra.s32 s22, $0x2  }
0xab: {  	s20 =	sadd.s32 $0xF40, s31  }
0xac: {  	v7 =	vimm.f32 $0.0e+00;
	p0 =	por $0x0, $0x0;
	s21 =	sadd.s32 $0xFFFFFFFF, s21;
	v9 =	vld [tilespmem:s20+$0x30]  }
0xad: {  	v10 =	vld [tilespmem:s20+$0xFFFFFFD0]  }
0xae: {  	v11 =	vld [tilespmem:s20+$0xFFFFFFE0]  }
0xaf: {  	v12 =	vld [tilespmem:s20+$0xFFFFFFF0];
	p1 =	sne.s32 s21, $0x1  }
.Ltmp7:
0xb0: {  	v16 =	vld [tilespmem:s20+$0x0];
	(pc) =	sbr.rel @!p1 .LBB2_8-.Ltmp7, $4  }
0xb1: {  	v14 =	vld [tilespmem:s20+$0x10]  }
0xb2: {  	v15 =	vld [tilespmem:s20+$0x20];
	v13 =	vimm.f32 $0.0e+00;
	v17 =	vimm.f32 $0.0e+00  }
0xb3: {  	v19 =	vld [tilespmem:s20+$0xFFFFFFC0];
	s20 =	sadd.s32 $0x80, s20;
	v18 =	vimm.f32 $0.0e+00;
	v8 =	vadd.f32 v9, v7;
	v10 =	vadd.f32 v10, v7  }
0xb4: {  	s21 =	sadd.s32 $0xFFFFFFFF, s21;
	p0 =	por $0x1, $0x1;
	v20 =	vimm.f32 $0.0e+00;
	v9 =	vld [tilespmem:s20+$0x30];
	v11 =	vadd.f32 v11, v7;
	v12 =	vadd.f32 v12, v7  }
.LBB2_9:
0xb5: {  	p1 =	sne.s32 s21, $0x1;
	v21 =	vld [tilespmem:s20+$0xFFFFFFD0];
	v13 =	vadd.f32 v16, v13  }
0xb6: {  	v17 =	vadd.f32 v14, v17;
	v22 =	vld [tilespmem:s20+$0xFFFFFFE0]  }
0xb7: {  	v18 =	vadd.f32 v15, v18;
	v23 =	vld [tilespmem:s20+$0xFFFFFFF0]  }
.Ltmp8:
0xb8: {  	v20 =	vadd.f32 v19, v20;
	v16 =	vld [tilespmem:s20+$0x0];
	(pc) =	sbr.rel @p1 .LBB2_9-.Ltmp8, $4  }
0xb9: {  	v8 =	vadd.f32 v9, v8;
	v14 =	vld [tilespmem:s20+$0x10]  }
0xba: {  	v10 =	vadd.f32 v21, v10;
	v15 =	vld [tilespmem:s20+$0x20]  }
0xbb: {  	v19 =	vld [tilespmem:s20+$0xFFFFFFC0];
	v11 =	vadd.f32 v22, v11;
	s20 =	sadd.s32 $0x80, s20  }
0xbc: {  	s21 =	sadd.s32 $0xFFFFFFFF, s21;
	v9 =	vld [tilespmem:s20+$0x30];
	v12 =	vadd.f32 v23, v12  }
.Ltmp9:
0xbd: {  	_ = 	snop;
	(pc) =	sbr.rel .LBB2_10-.Ltmp9, $1  }
0xbe: {  	_ =	sdelay $0x3  }
.LBB2_8:
.Ltmp10:
0xbf: {  	(pc) =	sbr.rel .LBB2_10-.Ltmp10, $3  }
0xc0: {  	_ =	sdelay $0x1  }
0xc1: {  	v13 =	vimm.f32 $0.0e+00  }
0xc2: {  	v17 =	vimm.f32 $0.0e+00;
	v18 =	vimm.f32 $0.0e+00;
	v20 =	vimm.f32 $0.0e+00  }
.LBB2_12:
.Ltmp11:
0xc3: {  	(pc) =	sbr.rel .LBB2_13-.Ltmp11, $4  }
0xc4: {  	_ = 	snop  }
0xc5: {  	_ =	swait.ge [sflag:s14], $0x9000  }
0xc6: {  	[sflag:s14] =	ssyncset.done $0x0  }
0xc7: {  	s18 =	simm.s32 $0x0;
	[sflag:s14] =	ssyncadd.s32 $0xFFFF7000  }
.LBB2_15:
0xc8: {  	v13 =	vimm.f32 $0.0e+00;
	v17 =	vimm.f32 $0.0e+00  }
0xc9: {  	v18 =	vimm.f32 $0.0e+00;
	v20 =	vimm.f32 $0.0e+00;
	v8 =	vimm.f32 $0.0e+00  }
0xca: {  	v10 =	vimm.f32 $0.0e+00;
	v11 =	vimm.f32 $0.0e+00;
	v12 =	vimm.f32 $0.0e+00  }
.LBB2_19:
0xcb: {  	v21 =	vld [tilespmem:s19+$0xFFFFFFD0]  }
0xcc: {  	v22 =	vld [tilespmem:s19+$0xFFFFFFE0]  }
0xcd: {  	v23 =	vld [tilespmem:s19+$0xFFFFFFF0]  }
0xce: {  	v24 =	vld [tilespmem:s19+$0x0]  }
0xcf: {  	v25 =	vld [tilespmem:s19+$0x10]  }
0xd0: {  	v26 =	vld [tilespmem:s19+$0xFFFFFFC0];
	s20 =	sshll.u32 s18, $0x7  }
0xd1: {  	v27 =	vld [tilespmem:s19+$0x20];
	s31 =	sand.u32 $0x3FFFFF80, s20  }
0xd2: {  	v19 =	vadd.f32 @p0 v19, v20;
	v53 =	vld [tilespmem:s31+$0x300]  }
0xd3: {  	v28 =	vld [tilespmem:s31+$0x310]  }
0xd4: {  	v13 =	vadd.f32 @p0 v16, v13;
	v54 =	vpsel p0, v19, v7;
	v55 =	vld [tilespmem:s31+$0x320]  }
0xd5: {  	v14 =	vadd.f32 @p0 v14, v17;
	v56 =	vld [tilespmem:s31+$0x330];
	v16 =	vadd.f32 v26, v54  }
0xd6: {  	v15 =	vadd.f32 @p0 v15, v18;
	v57 =	vld [tilespmem:s31+$0x340];
	v10 =	vadd.f32 v21, v10  }
0xd7: {  	v58 =	vld [tilespmem:s31+$0x350];
	v11 =	vadd.f32 v22, v11;
	v16 =	vadd.f32 v53, v16  }
0xd8: {  	v13 =	vpsel p0, v13, v7;
	v59 =	vld [tilespmem:s31+$0x360];
	v12 =	vadd.f32 v23, v12;
	v10 =	vadd.f32 v28, v10  }
0xd9: {  	v14 =	vpsel p0, v14, v7;
	v60 =	vld [tilespmem:s31+$0x370];
	v13 =	vadd.f32 v24, v13;
	v11 =	vadd.f32 v55, v11;
	[tilespmem:s31+$0x300] =	vst v16  }
0xda: {  	v7 =	vpsel p0, v15, v7;
	v14 =	vadd.f32 v25, v14;
	v61 =	vadd.f32 v56, v12;
	[tilespmem:s31+$0x310] =	vst v10  }
0xdb: {  	v7 =	vadd.f32 v27, v7;
	v62 =	vadd.f32 v57, v13;
	[tilespmem:s31+$0x320] =	vst v11  }
0xdc: {  	v8 =	vadd.f32 v9, v8;
	v63 =	vadd.f32 v58, v14;
	[tilespmem:s31+$0x330] =	vst v61  }
0xdd: {  	v7 =	vadd.f32 v59, v7;
	[tilespmem:s31+$0x340] =	vst v62  }
0xde: {  	v8 =	vadd.f32 v60, v8;
	[tilespmem:s31+$0x350] =	vst v63  }
0xdf: {  	[tilespmem:s31+$0x360] =	vst v7  }
0xe0: {  	[tilespmem:s31+$0x370] =	vst v8  }
.LBB2_20:
0xe1: {  	s18 =	sadd.s32 $0x1, s18  }
0xe2: {  	p0 =	sne.s32 s18, $0x10  }
.Ltmp12:
0xe3: {  	_ = 	snop;
	(pc) =	sbr.rel @!p0 .LBB2_21-.Ltmp12, $1  }
0xe4: {  	_ =	sdelay $0x3  }
.LBB2_13:
0xe5: {  	p0 =	sgt.s32 s17, $0x120;
	s19 =	smov.u32 s17;
	s17 =	sld [smem:s18+$0x1]  }
0xe6: {  	_ =	sdelay $0x1  }
0xe7: {  	p1 =	slt.s32 s17, $0x240;
	s20 =	smov.u32 s17  }
0xe8: {  	s19 =	simm.s32 @!p0 $0x120;
	s20 =	simm.s32 @!p1 $0x240  }
0xe9: {  	p0 =	sle.s32 s20, s19  }
.Ltmp13:
0xea: {  	_ = 	snop;
	(pc) =	sbr.rel @p0 .LBB2_20-.Ltmp13, $1  }
0xeb: {  	_ =	sdelay $0x3  }
0xec: {  	s20 =	ssub.s32 s20, s19  }
0xed: {  	p1 =	sne.s32 s20, $0x1  }
.Ltmp14:
0xee: {  	_ = 	snop;
	(pc) =	sbr.rel @!p1 .LBB2_15-.Ltmp14, $4  }
0xef: {  	s21 =	sshll.u32 s19, $0x9  }
0xf0: {  	s31 =	sshra.s32 s21, $0x2  }
0xf1: {  	s19 =	sadd.s32 $0xF40, s31  }
0xf2: {  	v7 =	vimm.f32 $0.0e+00;
	p0 =	por $0x0, $0x0;
	s20 =	sadd.s32 $0xFFFFFFFF, s20;
	v9 =	vld [tilespmem:s19+$0x30]  }
0xf3: {  	v10 =	vld [tilespmem:s19+$0xFFFFFFD0]  }
0xf4: {  	v11 =	vld [tilespmem:s19+$0xFFFFFFE0]  }
0xf5: {  	v12 =	vld [tilespmem:s19+$0xFFFFFFF0];
	p1 =	sne.s32 s20, $0x1  }
.Ltmp15:
0xf6: {  	v16 =	vld [tilespmem:s19+$0x0];
	(pc) =	sbr.rel @!p1 .LBB2_17-.Ltmp15, $4  }
0xf7: {  	v14 =	vld [tilespmem:s19+$0x10]  }
0xf8: {  	v15 =	vld [tilespmem:s19+$0x20];
	v13 =	vimm.f32 $0.0e+00;
	v17 =	vimm.f32 $0.0e+00  }
0xf9: {  	v19 =	vld [tilespmem:s19+$0xFFFFFFC0];
	s19 =	sadd.s32 $0x80, s19;
	v18 =	vimm.f32 $0.0e+00;
	v8 =	vadd.f32 v9, v7;
	v10 =	vadd.f32 v10, v7  }
0xfa: {  	s20 =	sadd.s32 $0xFFFFFFFF, s20;
	p0 =	por $0x1, $0x1;
	v20 =	vimm.f32 $0.0e+00;
	v9 =	vld [tilespmem:s19+$0x30];
	v11 =	vadd.f32 v11, v7;
	v12 =	vadd.f32 v12, v7  }
.LBB2_18:
0xfb: {  	p1 =	sne.s32 s20, $0x1;
	v21 =	vld [tilespmem:s19+$0xFFFFFFD0];
	v13 =	vadd.f32 v16, v13  }
0xfc: {  	v17 =	vadd.f32 v14, v17;
	v22 =	vld [tilespmem:s19+$0xFFFFFFE0]  }
0xfd: {  	v18 =	vadd.f32 v15, v18;
	v23 =	vld [tilespmem:s19+$0xFFFFFFF0]  }
.Ltmp16:
0xfe: {  	v20 =	vadd.f32 v19, v20;
	v16 =	vld [tilespmem:s19+$0x0];
	(pc) =	sbr.rel @p1 .LBB2_18-.Ltmp16, $4  }
0xff: {  	v8 =	vadd.f32 v9, v8;
	v14 =	vld [tilespmem:s19+$0x10]  }
0x100: {  	v10 =	vadd.f32 v21, v10;
	v15 =	vld [tilespmem:s19+$0x20]  }
0x101: {  	v19 =	vld [tilespmem:s19+$0xFFFFFFC0];
	v11 =	vadd.f32 v22, v11;
	s19 =	sadd.s32 $0x80, s19  }
0x102: {  	s20 =	sadd.s32 $0xFFFFFFFF, s20;
	v9 =	vld [tilespmem:s19+$0x30];
	v12 =	vadd.f32 v23, v12  }
.Ltmp17:
0x103: {  	_ = 	snop;
	(pc) =	sbr.rel .LBB2_19-.Ltmp17, $1  }
0x104: {  	_ =	sdelay $0x3  }
.LBB2_17:
.Ltmp18:
0x105: {  	(pc) =	sbr.rel .LBB2_19-.Ltmp18, $3  }
0x106: {  	_ =	sdelay $0x1  }
0x107: {  	v13 =	vimm.f32 $0.0e+00  }
0x108: {  	v17 =	vimm.f32 $0.0e+00;
	v18 =	vimm.f32 $0.0e+00;
	v20 =	vimm.f32 $0.0e+00  }
.LBB2_22:
0x109: {  	_ =	sfence.sel $0x180000  }
0x10a: {  	[bflag:$0x0] =	sbarrier.arrive $0xFFFF  }
0x10b: {  	p0 =	sne.s32 s0, $0x0;
	_ =	strace $0x90000047  }
0x10c: {  	s0 =	sadd.s32 @!p0 $0x100000, s1;
	[bflag:$0x2] =	sbarrier.arrive $0xFFFF  }
0x10d: {  	[sflag:s0] =	ssyncadd.tile.s32 @!p0 $0x1;
	_ =	shalt  }
.Lfunc_end2:
_tile_overlayer_lowered:
.L_overlay_start_2:
0x10e: {  	(tag) =	ssettag $0x2  }
0x10f: {  	s0 =	rddreg [dreg:$0x0];
	s2 =	stileid.u32  }
0x110: {  	s1 =	rddreg [dreg:$0x1];
	p0 =	sne.s32 s2, $0x0  }
0x111: {  	s3 =	rddreg [dreg:$0x2];
	[bflag:$0x3] =	sbarrier.arrive $0xFFFF;
	s2 =	simm.s32 @!p0 $0x1C03  }
0x112: {  	[timem:s3], [sflag:s2] =	dma.local @!p0 [hbm:s0], s1  }
0x113: {  	s0 =	simm.s32 @!p0 $0x3  }
0x114: {  	_ =	swait.ge @!p0 [sflag:s0], s1  }
0x115: {  	s1 =	ssub.s32 @!p0 $0x0, s1;
	[sflag:s0] =	ssyncset.done @!p0 $0x0  }
0x116: {  	[sflag:s0] =	ssyncadd.s32 @!p0 s1  }
0x117: {  	[bflag:$0x3] =	sbarrier.arrive $0xFFFF  }
0x118: {  	_ =	shalt  }

</sc_bundles>
